<compile_context>
chip_gen: v7x
topology: tpu7x:2x2x1
jax: 0.10.2.dev20260603
libtpu: 0.0.44.dev20260713+nightly
codegen_flags: <defaults>
</compile_context>

<pallas_src>
import functools

import jax
import jax.numpy as jnp
from jax import lax
from jax.experimental import pallas as pl
from jax.experimental.pallas import tpu as pltpu
from jax.experimental.pallas import tpu_sc as plsc

_NUM_CLASSES = 100000
_NF = 26
_D = 16
_B = 16384
_NC = 2
_NS = 16
_NW = _NC * _NS
_SPW = _B // _NW
_CB = 64
_NCHUNK = _SPW // _CB
_RPC = _CB * _NF
_GROWS = 128
_GPC = _RPC // _GROWS
_IDXROWS_PW = _SPW * _NF // _GROWS

_mesh = plsc.VectorSubcoreMesh(core_axis_name="c", subcore_axis_name="s")


@functools.partial(
    pl.kernel,
    out_type=jax.ShapeDtypeStruct((_B,), jnp.float32),
    mesh=_mesh,
    compiler_params=pltpu.CompilerParams(
        needs_layout_passes=False, use_tc_tiling_on_sc=False),
    scratch_types=[
        pltpu.VMEM((_IDXROWS_PW, _GROWS), jnp.int32),
        pltpu.VMEM((_RPC, _D), jnp.float32),
        pltpu.VMEM((_RPC,), jnp.float32),
        pltpu.VMEM((_SPW,), jnp.float32),
        pltpu.VMEM((_D,), jnp.float32),
        pltpu.SemaphoreType.DMA,
        pltpu.SemaphoreType.DMA,
    ],
)
def _fm_sc(idx_hbm, quad_hbm, lin_hbm, bias_hbm, out_hbm,
           idx_v, rows_v, lin_v, out_v, bias_v, qsem, lsem):
    cid = lax.axis_index("c")
    sid = lax.axis_index("s")
    wid = sid * _NC + cid
    pltpu.sync_copy(idx_hbm.at[pl.ds(wid * _IDXROWS_PW, _IDXROWS_PW)], idx_v)
    pltpu.sync_copy(bias_hbm, bias_v)
    lanes = lax.iota(jnp.int32, _D)
    last_lane = lanes == _D - 1

    def chunk_body(ch, carry):
        g0 = ch * _GPC
        for j in range(_GPC):
            row = idx_v.at[g0 + j]
            pltpu.async_copy(quad_hbm.at[row],
                             rows_v.at[pl.ds(j * _GROWS, _GROWS)], qsem)
            pltpu.async_copy(lin_hbm.at[row],
                             lin_v.at[pl.ds(j * _GROWS, _GROWS)], lsem)
        pltpu.make_async_copy(quad_hbm.at[pl.ds(0, _RPC)], rows_v, qsem).wait()
        pltpu.make_async_copy(lin_hbm.at[pl.ds(0, _RPC)], lin_v, lsem).wait()

        def sample_body(i, carry2):
            base = i * _NF
            v = rows_v[base, :]
            s_acc = v
            q_acc = v * v
            for f in range(1, _NF):
                v = rows_v[base + f, :]
                s_acc = s_acc + v
                q_acc = q_acc + v * v
            a = lin_v[pl.ds(base, _D)]
            b = lin_v[pl.ds(base + _NF - _D, _D)]
            pre = (0.5 * (s_acc * s_acc - q_acc) + a
                   + jnp.where(lanes >= 2 * _D - _NF, b, 0.0))
            cum = plsc.cumsum(pre)
            tgt = jnp.broadcast_to(ch * _CB + i, (_D,))
            plsc.store_scatter(out_v, [tgt], cum, mask=last_lane)
            return carry2

        lax.fori_loop(0, _CB, sample_body, 0)
        return carry

    lax.fori_loop(0, _NCHUNK, chunk_body, 0)

    def sig_body(k, carry):
        x = out_v[pl.ds(k * _D, _D)] + bias_v[...]
        out_v[pl.ds(k * _D, _D)] = 1.0 / (1.0 + jnp.exp(-x))
        return carry

    lax.fori_loop(0, _SPW // _D, sig_body, 0)
    pltpu.sync_copy(out_v, out_hbm.at[pl.ds(wid * _SPW, _SPW)])


_TROWS = 2600000
_TBLK = 512
_NFULL = _TROWS // _TBLK
_TAIL = _TROWS - _NFULL * _TBLK
_BPW = (_NFULL + _NW - 1) // _NW

_mesh2 = plsc.VectorSubcoreMesh(core_axis_name="c", subcore_axis_name="s")


@functools.partial(
    pl.kernel,
    out_type=jax.ShapeDtypeStruct((_TROWS * _D // 128, 128), jnp.float32),
    mesh=_mesh2,
    compiler_params=pltpu.CompilerParams(
        needs_layout_passes=False, use_tc_tiling_on_sc=True),
    scratch_types=[
        pltpu.VMEM((_D, _TBLK), jnp.float32),
        pltpu.VMEM((_TBLK * _D // 128, 128), jnp.float32),
        pltpu.VMEM((_TAIL * _D // 128, 128), jnp.float32),
    ],
)
def _detile(tbl_t, tail, out_hbm, inb, outb, tailb):
    cid = lax.axis_index("c")
    sid = lax.axis_index("s")
    wid = sid * _NC + cid
    lanes = lax.iota(jnp.int32, _D)

    def transpose_block(b, ncols):
        pltpu.sync_copy(tbl_t.at[:, pl.ds(b * _TBLK, ncols)],
                        inb.at[:, pl.ds(0, ncols)])

        def eo_body(eo, carry):
            for ei in range(8):
                e = eo * 8 + ei
                row = plsc.load_gather(
                    inb, [lanes, jnp.broadcast_to(e, (_D,))])
                outb[eo, pl.ds(ei * _D, _D)] = row
            return carry

        lax.fori_loop(0, ncols // 8, eo_body, 0)
        pltpu.sync_copy(outb.at[pl.ds(0, ncols // 8)],
                        out_hbm.at[pl.ds(b * (_TBLK * _D // 128),
                                         ncols // 8)])

    def blk_body(j, carry):
        b = wid + j * _NW

        @pl.when(b < _NFULL)
        def _():
            transpose_block(b, _TBLK)

        return carry

    lax.fori_loop(0, _BPW, blk_body, 0)

    @pl.when(wid == 0)
    def _():
        pltpu.sync_copy(tail, tailb)
        pltpu.sync_copy(
            tailb, out_hbm.at[pl.ds(_NFULL * (_TBLK * _D // 128),
                                    _TAIL * _D // 128)])


def kernel(input, quad_table, linear_table, global_bias):
    offsets = jnp.arange(_NF, dtype=jnp.int32) * _NUM_CLASSES
    idx = (input + offsets[None, :]).reshape(_B * _NF // _GROWS, _GROWS)
    lin_flat = linear_table.reshape(-1)
    tail = quad_table[_NFULL * _TBLK:].reshape(_TAIL * _D // 128, 128)
    quad_rm = _detile(jnp.transpose(quad_table), tail).reshape(_TROWS, _D)
    bias16 = jnp.broadcast_to(global_bias.astype(jnp.float32), (_D,))
    return _fm_sc(idx, quad_rm, lin_flat, bias16)

# --- scband reference (transcript-rebuilt; emitter-appended) ---
"""Pipeline reference for scband-factorization-machine-49778670961337 (READ-ONLY COPY).

The authoritative reference and input builder live on the scoring server;
editing this copy changes nothing except your own understanding.
"""

import jax, jax.numpy as jnp
import numpy as np

NUM_CLASSES = [100000] * 26
NUM_FACTOR = 16
BATCH = 16384
N_FIELDS = len(NUM_CLASSES)
TOTAL_ROWS = int(np.sum(NUM_CLASSES))


def setup_inputs(seed: int = 0) -> dict:
    key = jax.random.key(seed)
    k1, k2, k3 = jax.random.split(key, 3)
    inp = jax.random.randint(k1, (BATCH, N_FIELDS), 0, 100000, dtype=jnp.int32)
    quad_table = jax.random.normal(k2, (TOTAL_ROWS, NUM_FACTOR), dtype=jnp.float32) * 0.01
    linear_table = jax.random.normal(k3, (TOTAL_ROWS, 1), dtype=jnp.float32) * 0.01
    global_bias = jnp.zeros((1,), dtype=jnp.float32)
    return {"input": inp, "quad_table": quad_table, "linear_table": linear_table, "global_bias": global_bias}


def reference(input, quad_table, linear_table, global_bias):
    # Per-field offsets so each field indexes its own slice of the flat table
    offsets = jnp.asarray(np.concatenate([[0], np.cumsum(NUM_CLASSES)[:-1]]), dtype=input.dtype)
    idx = input + offsets[None, :]  # [B, N_fields]

    bias = jnp.broadcast_to(global_bias, (input.shape[0],))

    # linear term: embedding lookup with dim 1, squeeze, sum over fields
    linear = jnp.take(linear_table, idx, axis=0).squeeze(2).sum(axis=1)  # [B]

    # quadratic FM term
    embedd_ = jnp.take(quad_table, idx, axis=0)  # [B, N_fields, NUM_FACTOR]
    square_of_sum = jnp.power(embedd_.sum(axis=1), 2)  # [B, F]
    sum_of_square = jnp.power(embedd_, 2).sum(axis=1)  # [B, F]
    quadratic = 0.5 * (square_of_sum - sum_of_square).sum(axis=1)  # [B]

    return jax.nn.sigmoid(bias + linear + quadratic)

if __name__ == "__main__":
    import jax
    _d = setup_inputs()
    print(jax.jit(kernel)(*tuple(_d.values())))

</pallas_src>

<mosaic_0001>
#map = affine_map<(d0, d1) -> (0, 0)>
module attributes {stable_mosaic.version = 14 : i64} {
  func.func @_detile(%arg0: i32, %arg1: i32, %arg2: memref<16x2600000xf32, #tpu.memory_space<hbm>>, %arg3: memref<8x128xf32, #tpu.memory_space<hbm>>, %arg4: memref<325000x128xf32, #tpu.memory_space<hbm>>, %arg5: memref<16x512xf32, #tpu.memory_space<vmem>>, %arg6: memref<64x128xf32, #tpu.memory_space<vmem>>, %arg7: memref<8x128xf32, #tpu.memory_space<vmem>>) attributes {dimension_semantics = [#tpu.dimension_semantics<core_parallel>, #tpu.dimension_semantics<subcore_parallel>], iteration_bounds = array<i64: 2, 16>, scalar_prefetch = 0 : i64, scratch_operands = 3 : i64, tpu.core_type = #tpu.core_type<sc_vector_subcore>, window_params = [{transform_indices = #map}, {transform_indices = #map}, {transform_indices = #map}]} {
    %mul3A = arith.constant 2 : i32
    %mul3A_0 = arith.muli %arg1, %mul3A : i32
    %add3A = arith.addi %mul3A_0, %arg0 : i32
    %iota3A = tpu.iota {dimensions = array<i32: 0>} : vector<16xi32>
    %scan3A = arith.constant 0 : i32
    %scan3A_1 = arith.constant 0 : i32
    %scan3A_2 = arith.constant 159 : i32
    %scan3A_3 = arith.addi %scan3A_1, %scan3A_2 : i32
    %scan3A_4 = arith.constant 1 : i32
    scf.for %scan3A_8 = %scan3A_1 to %scan3A_3 step %scan3A_4  : i32 {
      %mul3A_9 = arith.constant 32 : i32
      %mul3A_10 = arith.muli %scan3A_8, %mul3A_9 : i32
      %add3A_11 = arith.addi %add3A, %mul3A_10 : i32
      %lt3A = arith.constant 5078 : i32
      %lt3A_12 = arith.cmpi slt, %add3A_11, %lt3A : i32
      %convert_element_type3A_13 = arith.extui %lt3A_12 : i1 to i32
      %cond3A_14 = arith.constant 0 : i32
      %cond3A_15 = arith.cmpi ne, %convert_element_type3A_13, %cond3A_14 : i32
      scf.if %cond3A_15 {
        %mul3A_16 = arith.constant 512 : i32
        %mul3A_17 = arith.muli %add3A_11, %mul3A_16 : i32
        "tpu.region"() ({
          %run_scoped3A = tpu.sem_alloc : memref<!tpu.dma_semaphore, #tpu.memory_space<semaphore_mem>>
          %dma_start3A = arith.constant 0 : i32
          %dma_start3A_26 = arith.constant 0 : i32
          %dma_start3A_27 = tpu.memref_slice %arg5[%dma_start3A, %dma_start3A_26] : memref<16x512xf32, #tpu.memory_space<vmem>> -> memref<16x512xf32, #tpu.memory_space<vmem>>
          %dma_start3A_28 = arith.constant 0 : i32
          %dma_start3A_29 = tpu.memref_slice %arg2[%dma_start3A_28, %mul3A_17] : memref<16x2600000xf32, #tpu.memory_space<hbm>> -> memref<16x512xf32, #tpu.memory_space<hbm>>
          %dma_start3A_30 = arith.constant 0 : i32
          %dma_start3A_31 = arith.constant 0 : i32
          %dma_start3A_32 = tpu.memref_slice %arg5[%dma_start3A_30, %dma_start3A_31] : memref<16x512xf32, #tpu.memory_space<vmem>> -> memref<16x512xf32, #tpu.memory_space<vmem>>
          %dma_start3A_33 = arith.constant 0 : i32
          %dma_start3A_34 = tpu.memref_slice %arg2[%dma_start3A_33, %mul3A_17] : memref<16x2600000xf32, #tpu.memory_space<hbm>> -> memref<16x512xf32, #tpu.memory_space<hbm>>
          tpu.enqueue_dma source(%dma_start3A_34 : memref<16x512xf32, #tpu.memory_space<hbm>>) target(%dma_start3A_32 : memref<16x512xf32, #tpu.memory_space<vmem>>) target_semaphore(%run_scoped3A : memref<!tpu.dma_semaphore, #tpu.memory_space<semaphore_mem>>)
          %dma_wait3A = arith.constant 0 : i32
          %dma_wait3A_35 = arith.constant 0 : i32
          %dma_wait3A_36 = tpu.memref_slice %arg5[%dma_wait3A, %dma_wait3A_35] : memref<16x512xf32, #tpu.memory_space<vmem>> -> memref<16x512xf32, #tpu.memory_space<vmem>>
          %dma_wait3A_37 = arith.constant 0 : i32
          %dma_wait3A_38 = tpu.memref_slice %arg2[%dma_wait3A_37, %mul3A_17] : memref<16x2600000xf32, #tpu.memory_space<hbm>> -> memref<16x512xf32, #tpu.memory_space<hbm>>
          %dma_wait3A_39 = arith.constant 0 : i32
          %dma_wait3A_40 = arith.constant 0 : i32
          %dma_wait3A_41 = tpu.memref_slice %arg5[%dma_wait3A_39, %dma_wait3A_40] : memref<16x512xf32, #tpu.memory_space<vmem>> -> memref<16x512xf32, #tpu.memory_space<vmem>>
          %dma_wait3A_42 = arith.constant 0 : i32
          %dma_wait3A_43 = tpu.memref_slice %arg2[%dma_wait3A_42, %mul3A_17] : memref<16x2600000xf32, #tpu.memory_space<hbm>> -> memref<16x512xf32, #tpu.memory_space<hbm>>
          tpu.wait_dma2 semaphore(%run_scoped3A : memref<!tpu.dma_semaphore, #tpu.memory_space<semaphore_mem>>) src(%dma_wait3A_43 : memref<16x512xf32, #tpu.memory_space<hbm>>) dst(%dma_wait3A_41 : memref<16x512xf32, #tpu.memory_space<vmem>>)
          tpu.yield
        }) : () -> ()
        %scan3A_18 = arith.constant 0 : i32
        %scan3A_19 = arith.constant 0 : i32
        %scan3A_20 = arith.constant 64 : i32
        %scan3A_21 = arith.addi %scan3A_19, %scan3A_20 : i32
        %scan3A_22 = arith.constant 1 : i32
        scf.for %scan3A_26 = %scan3A_19 to %scan3A_21 step %scan3A_22  : i32 {
          %mul3A_27 = arith.constant 8 : i32
          %mul3A_28 = arith.muli %scan3A_26, %mul3A_27 : i32
          %add3A_29 = arith.constant 0 : i32
          %add3A_30 = arith.addi %mul3A_28, %add3A_29 : i32
          %broadcast_in_dim3A = vector.broadcast %add3A_30 : i32 to vector<16xi32>
          %gather3A = tpu.vector_load_idx %arg5[%iota3A, %broadcast_in_dim3A] : memref<16x512xf32, #tpu.memory_space<vmem>>[vector<16xi32>, vector<16xi32>], vector<16xf32>,
          %swap3A = arith.index_cast %scan3A_26 : i32 to index
          %swap3A_31 = arith.constant 0 : index
          %swap3A_32 = tpu.vector_load %arg6[%swap3A, %swap3A_31] {strides = array<i32>} : memref<64x128xf32, #tpu.memory_space<vmem>>, vector<16xf32>,
          tpu.vector_store %arg6[%swap3A, %swap3A_31], %gather3A {strides = array<i32>} : memref<64x128xf32, #tpu.memory_space<vmem>>, vector<16xf32>,
          %mul3A_33 = arith.constant 8 : i32
          %mul3A_34 = arith.muli %scan3A_26, %mul3A_33 : i32
          %add3A_35 = arith.constant 1 : i32
          %add3A_36 = arith.addi %mul3A_34, %add3A_35 : i32
          %broadcast_in_dim3A_37 = vector.broadcast %add3A_36 : i32 to vector<16xi32>
          %gather3A_38 = tpu.vector_load_idx %arg5[%iota3A, %broadcast_in_dim3A_37] : memref<16x512xf32, #tpu.memory_space<vmem>>[vector<16xi32>, vector<16xi32>], vector<16xf32>,
          %swap3A_39 = arith.index_cast %scan3A_26 : i32 to index
          %swap3A_40 = arith.constant 16 : index
          %swap3A_41 = tpu.vector_load %arg6[%swap3A_39, %swap3A_40] {strides = array<i32>} : memref<64x128xf32, #tpu.memory_space<vmem>>, vector<16xf32>,
          tpu.vector_store %arg6[%swap3A_39, %swap3A_40], %gather3A_38 {strides = array<i32>} : memref<64x128xf32, #tpu.memory_space<vmem>>, vector<16xf32>,
          %mul3A_42 = arith.constant 8 : i32
          %mul3A_43 = arith.muli %scan3A_26, %mul3A_42 : i32
          %add3A_44 = arith.constant 2 : i32
          %add3A_45 = arith.addi %mul3A_43, %add3A_44 : i32
          %broadcast_in_dim3A_46 = vector.broadcast %add3A_45 : i32 to vector<16xi32>
          %gather3A_47 = tpu.vector_load_idx %arg5[%iota3A, %broadcast_in_dim3A_46] : memref<16x512xf32, #tpu.memory_space<vmem>>[vector<16xi32>, vector<16xi32>], vector<16xf32>,
          %swap3A_48 = arith.index_cast %scan3A_26 : i32 to index
          %swap3A_49 = arith.constant 32 : index
          %swap3A_50 = tpu.vector_load %arg6[%swap3A_48, %swap3A_49] {strides = array<i32>} : memref<64x128xf32, #tpu.memory_space<vmem>>, vector<16xf32>,
          tpu.vector_store %arg6[%swap3A_48, %swap3A_49], %gather3A_47 {strides = array<i32>} : memref<64x128xf32, #tpu.memory_space<vmem>>, vector<16xf32>,
          %mul3A_51 = arith.constant 8 : i32
          %mul3A_52 = arith.muli %scan3A_26, %mul3A_51 : i32
          %add3A_53 = arith.constant 3 : i32
          %add3A_54 = arith.addi %mul3A_52, %add3A_53 : i32
          %broadcast_in_dim3A_55 = vector.broadcast %add3A_54 : i32 to vector<16xi32>
          %gather3A_56 = tpu.vector_load_idx %arg5[%iota3A, %broadcast_in_dim3A_55] : memref<16x512xf32, #tpu.memory_space<vmem>>[vector<16xi32>, vector<16xi32>], vector<16xf32>,
          %swap3A_57 = arith.index_cast %scan3A_26 : i32 to index
          %swap3A_58 = arith.constant 48 : index
          %swap3A_59 = tpu.vector_load %arg6[%swap3A_57, %swap3A_58] {strides = array<i32>} : memref<64x128xf32, #tpu.memory_space<vmem>>, vector<16xf32>,
          tpu.vector_store %arg6[%swap3A_57, %swap3A_58], %gather3A_56 {strides = array<i32>} : memref<64x128xf32, #tpu.memory_space<vmem>>, vector<16xf32>,
          %mul3A_60 = arith.constant 8 : i32
          %mul3A_61 = arith.muli %scan3A_26, %mul3A_60 : i32
          %add3A_62 = arith.constant 4 : i32
          %add3A_63 = arith.addi %mul3A_61, %add3A_62 : i32
          %broadcast_in_dim3A_64 = vector.broadcast %add3A_63 : i32 to vector<16xi32>
          %gather3A_65 = tpu.vector_load_idx %arg5[%iota3A, %broadcast_in_dim3A_64] : memref<16x512xf32, #tpu.memory_space<vmem>>[vector<16xi32>, vector<16xi32>], vector<16xf32>,
          %swap3A_66 = arith.index_cast %scan3A_26 : i32 to index
          %swap3A_67 = arith.constant 64 : index
          %swap3A_68 = tpu.vector_load %arg6[%swap3A_66, %swap3A_67] {strides = array<i32>} : memref<64x128xf32, #tpu.memory_space<vmem>>, vector<16xf32>,
          tpu.vector_store %arg6[%swap3A_66, %swap3A_67], %gather3A_65 {strides = array<i32>} : memref<64x128xf32, #tpu.memory_space<vmem>>, vector<16xf32>,
          %mul3A_69 = arith.constant 8 : i32
          %mul3A_70 = arith.muli %scan3A_26, %mul3A_69 : i32
          %add3A_71 = arith.constant 5 : i32
          %add3A_72 = arith.addi %mul3A_70, %add3A_71 : i32
          %broadcast_in_dim3A_73 = vector.broadcast %add3A_72 : i32 to vector<16xi32>
          %gather3A_74 = tpu.vector_load_idx %arg5[%iota3A, %broadcast_in_dim3A_73] : memref<16x512xf32, #tpu.memory_space<vmem>>[vector<16xi32>, vector<16xi32>], vector<16xf32>,
          %swap3A_75 = arith.index_cast %scan3A_26 : i32 to index
          %swap3A_76 = arith.constant 80 : index
          %swap3A_77 = tpu.vector_load %arg6[%swap3A_75, %swap3A_76] {strides = array<i32>} : memref<64x128xf32, #tpu.memory_space<vmem>>, vector<16xf32>,
          tpu.vector_store %arg6[%swap3A_75, %swap3A_76], %gather3A_74 {strides = array<i32>} : memref<64x128xf32, #tpu.memory_space<vmem>>, vector<16xf32>,
          %mul3A_78 = arith.constant 8 : i32
          %mul3A_79 = arith.muli %scan3A_26, %mul3A_78 : i32
          %add3A_80 = arith.constant 6 : i32
          %add3A_81 = arith.addi %mul3A_79, %add3A_80 : i32
          %broadcast_in_dim3A_82 = vector.broadcast %add3A_81 : i32 to vector<16xi32>
          %gather3A_83 = tpu.vector_load_idx %arg5[%iota3A, %broadcast_in_dim3A_82] : memref<16x512xf32, #tpu.memory_space<vmem>>[vector<16xi32>, vector<16xi32>], vector<16xf32>,
          %swap3A_84 = arith.index_cast %scan3A_26 : i32 to index
          %swap3A_85 = arith.constant 96 : index
          %swap3A_86 = tpu.vector_load %arg6[%swap3A_84, %swap3A_85] {strides = array<i32>} : memref<64x128xf32, #tpu.memory_space<vmem>>, vector<16xf32>,
          tpu.vector_store %arg6[%swap3A_84, %swap3A_85], %gather3A_83 {strides = array<i32>} : memref<64x128xf32, #tpu.memory_space<vmem>>, vector<16xf32>,
          %mul3A_87 = arith.constant 8 : i32
          %mul3A_88 = arith.muli %scan3A_26, %mul3A_87 : i32
          %add3A_89 = arith.constant 7 : i32
          %add3A_90 = arith.addi %mul3A_88, %add3A_89 : i32
          %broadcast_in_dim3A_91 = vector.broadcast %add3A_90 : i32 to vector<16xi32>
          %gather3A_92 = tpu.vector_load_idx %arg5[%iota3A, %broadcast_in_dim3A_91] : memref<16x512xf32, #tpu.memory_space<vmem>>[vector<16xi32>, vector<16xi32>], vector<16xf32>,
          %swap3A_93 = arith.index_cast %scan3A_26 : i32 to index
          %swap3A_94 = arith.constant 112 : index
          %swap3A_95 = tpu.vector_load %arg6[%swap3A_93, %swap3A_94] {strides = array<i32>} : memref<64x128xf32, #tpu.memory_space<vmem>>, vector<16xf32>,
          tpu.vector_store %arg6[%swap3A_93, %swap3A_94], %gather3A_92 {strides = array<i32>} : memref<64x128xf32, #tpu.memory_space<vmem>>, vector<16xf32>,
        }
        %scan3A_23 = arith.constant 64 : i32
        %mul3A_24 = arith.constant 64 : i32
        %mul3A_25 = arith.muli %add3A_11, %mul3A_24 : i32
        "tpu.region"() ({
          %run_scoped3A = tpu.sem_alloc : memref<!tpu.dma_semaphore, #tpu.memory_space<semaphore_mem>>
          %dma_start3A = arith.constant 0 : i32
          %dma_start3A_26 = arith.constant 0 : i32
          %dma_start3A_27 = tpu.memref_slice %arg6[%dma_start3A, %dma_start3A_26] : memref<64x128xf32, #tpu.memory_space<vmem>> -> memref<64x128xf32, #tpu.memory_space<vmem>>
          %dma_start3A_28 = arith.constant 0 : i32
          %dma_start3A_29 = tpu.memref_slice %arg4[%mul3A_25, %dma_start3A_28] : memref<325000x128xf32, #tpu.memory_space<hbm>> -> memref<64x128xf32, #tpu.memory_space<hbm>>
          %dma_start3A_30 = arith.constant 0 : i32
          %dma_start3A_31 = tpu.memref_slice %arg4[%mul3A_25, %dma_start3A_30] : memref<325000x128xf32, #tpu.memory_space<hbm>> -> memref<64x128xf32, #tpu.memory_space<hbm>>
          %dma_start3A_32 = arith.constant 0 : i32
          %dma_start3A_33 = arith.constant 0 : i32
          %dma_start3A_34 = tpu.memref_slice %arg6[%dma_start3A_32, %dma_start3A_33] : memref<64x128xf32, #tpu.memory_space<vmem>> -> memref<64x128xf32, #tpu.memory_space<vmem>>
          tpu.enqueue_dma source(%dma_start3A_34 : memref<64x128xf32, #tpu.memory_space<vmem>>) target(%dma_start3A_31 : memref<64x128xf32, #tpu.memory_space<hbm>>) target_semaphore(%run_scoped3A : memref<!tpu.dma_semaphore, #tpu.memory_space<semaphore_mem>>)
          %dma_wait3A = arith.constant 0 : i32
          %dma_wait3A_35 = arith.constant 0 : i32
          %dma_wait3A_36 = tpu.memref_slice %arg6[%dma_wait3A, %dma_wait3A_35] : memref<64x128xf32, #tpu.memory_space<vmem>> -> memref<64x128xf32, #tpu.memory_space<vmem>>
          %dma_wait3A_37 = arith.constant 0 : i32
          %dma_wait3A_38 = tpu.memref_slice %arg4[%mul3A_25, %dma_wait3A_37] : memref<325000x128xf32, #tpu.memory_space<hbm>> -> memref<64x128xf32, #tpu.memory_space<hbm>>
          %dma_wait3A_39 = arith.constant 0 : i32
          %dma_wait3A_40 = tpu.memref_slice %arg4[%mul3A_25, %dma_wait3A_39] : memref<325000x128xf32, #tpu.memory_space<hbm>> -> memref<64x128xf32, #tpu.memory_space<hbm>>
          %dma_wait3A_41 = arith.constant 0 : i32
          %dma_wait3A_42 = arith.constant 0 : i32
          %dma_wait3A_43 = tpu.memref_slice %arg6[%dma_wait3A_41, %dma_wait3A_42] : memref<64x128xf32, #tpu.memory_space<vmem>> -> memref<64x128xf32, #tpu.memory_space<vmem>>
          tpu.wait_dma2 semaphore(%run_scoped3A : memref<!tpu.dma_semaphore, #tpu.memory_space<semaphore_mem>>) src(%dma_wait3A_43 : memref<64x128xf32, #tpu.memory_space<vmem>>) dst(%dma_wait3A_40 : memref<64x128xf32, #tpu.memory_space<hbm>>)
          tpu.yield
        }) : () -> ()
      } else {
      }
    }
    %scan3A_5 = arith.constant 159 : i32
    %eq3A = arith.constant 0 : i32
    %eq3A_6 = arith.cmpi eq, %add3A, %eq3A : i32
    %convert_element_type3A = arith.extui %eq3A_6 : i1 to i32
    %cond3A = arith.constant 0 : i32
    %cond3A_7 = arith.cmpi ne, %convert_element_type3A, %cond3A : i32
    scf.if %cond3A_7 {
      "tpu.region"() ({
        %run_scoped3A = tpu.sem_alloc : memref<!tpu.dma_semaphore, #tpu.memory_space<semaphore_mem>>
        tpu.enqueue_dma source(%arg3 : memref<8x128xf32, #tpu.memory_space<hbm>>) target(%arg7 : memref<8x128xf32, #tpu.memory_space<vmem>>) target_semaphore(%run_scoped3A : memref<!tpu.dma_semaphore, #tpu.memory_space<semaphore_mem>>)
        tpu.wait_dma2 semaphore(%run_scoped3A : memref<!tpu.dma_semaphore, #tpu.memory_space<semaphore_mem>>) src(%arg3 : memref<8x128xf32, #tpu.memory_space<hbm>>) dst(%arg7 : memref<8x128xf32, #tpu.memory_space<vmem>>)
        tpu.yield
      }) : () -> ()
      "tpu.region"() ({
        %run_scoped3A = tpu.sem_alloc : memref<!tpu.dma_semaphore, #tpu.memory_space<semaphore_mem>>
        %dma_start3A = arith.constant 324992 : i32
        %dma_start3A_8 = arith.constant 0 : i32
        %dma_start3A_9 = tpu.memref_slice %arg4[%dma_start3A, %dma_start3A_8] : memref<325000x128xf32, #tpu.memory_space<hbm>> -> memref<8x128xf32, #tpu.memory_space<hbm>>
        %dma_start3A_10 = arith.constant 324992 : i32
        %dma_start3A_11 = arith.constant 0 : i32
        %dma_start3A_12 = tpu.memref_slice %arg4[%dma_start3A_10, %dma_start3A_11] : memref<325000x128xf32, #tpu.memory_space<hbm>> -> memref<8x128xf32, #tpu.memory_space<hbm>>
        tpu.enqueue_dma source(%arg7 : memref<8x128xf32, #tpu.memory_space<vmem>>) target(%dma_start3A_12 : memref<8x128xf32, #tpu.memory_space<hbm>>) target_semaphore(%run_scoped3A : memref<!tpu.dma_semaphore, #tpu.memory_space<semaphore_mem>>)
        %dma_wait3A = arith.constant 324992 : i32
        %dma_wait3A_13 = arith.constant 0 : i32
        %dma_wait3A_14 = tpu.memref_slice %arg4[%dma_wait3A, %dma_wait3A_13] : memref<325000x128xf32, #tpu.memory_space<hbm>> -> memref<8x128xf32, #tpu.memory_space<hbm>>
        %dma_wait3A_15 = arith.constant 324992 : i32
        %dma_wait3A_16 = arith.constant 0 : i32
        %dma_wait3A_17 = tpu.memref_slice %arg4[%dma_wait3A_15, %dma_wait3A_16] : memref<325000x128xf32, #tpu.memory_space<hbm>> -> memref<8x128xf32, #tpu.memory_space<hbm>>
        tpu.wait_dma2 semaphore(%run_scoped3A : memref<!tpu.dma_semaphore, #tpu.memory_space<semaphore_mem>>) src(%arg7 : memref<8x128xf32, #tpu.memory_space<vmem>>) dst(%dma_wait3A_17 : memref<8x128xf32, #tpu.memory_space<hbm>>)
        tpu.yield
      }) : () -> ()
    } else {
    }
    return
  }
}

#map = affine_map<(d0, d1) -> (0, 0)>
#map1 = affine_map<(d0, d1) -> (0)>
module attributes {stable_mosaic.version = 14 : i64} {
  func.func @_fm_sc(%arg0: i32, %arg1: i32, %arg2: memref<3328x128xi32, #tpu.memory_space<hbm>>, %arg3: memref<2600000x16xf32, #tpu.memory_space<hbm>>, %arg4: memref<2600000xf32, #tpu.memory_space<hbm>>, %arg5: memref<16xf32, #tpu.memory_space<hbm>>, %arg6: memref<16384xf32, #tpu.memory_space<hbm>>, %arg7: memref<104x128xi32, #tpu.memory_space<vmem>>, %arg8: memref<1664x16xf32, #tpu.memory_space<vmem>>, %arg9: memref<1664xf32, #tpu.memory_space<vmem>>, %arg10: memref<512xf32, #tpu.memory_space<vmem>>, %arg11: memref<16xf32, #tpu.memory_space<vmem>>, %arg12: memref<!tpu.dma_semaphore, #tpu.memory_space<semaphore_mem>>, %arg13: memref<!tpu.dma_semaphore, #tpu.memory_space<semaphore_mem>>) attributes {dimension_semantics = [#tpu.dimension_semantics<core_parallel>, #tpu.dimension_semantics<subcore_parallel>], iteration_bounds = array<i64: 2, 16>, scalar_prefetch = 0 : i64, scratch_operands = 7 : i64, tpu.core_type = #tpu.core_type<sc_vector_subcore>, window_params = [{transform_indices = #map}, {transform_indices = #map}, {transform_indices = #map1}, {transform_indices = #map1}, {transform_indices = #map1}]} {
    %mul3A = arith.constant 2 : i32
    %mul3A_0 = arith.muli %arg1, %mul3A : i32
    %add3A = arith.addi %mul3A_0, %arg0 : i32
    %mul3A_1 = arith.constant 104 : i32
    %mul3A_2 = arith.muli %add3A, %mul3A_1 : i32
    "tpu.region"() ({
      %run_scoped3A = tpu.sem_alloc : memref<!tpu.dma_semaphore, #tpu.memory_space<semaphore_mem>>
      %dma_start3A = arith.constant 0 : i32
      %dma_start3A_18 = tpu.memref_slice %arg2[%mul3A_2, %dma_start3A] : memref<3328x128xi32, #tpu.memory_space<hbm>> -> memref<104x128xi32, #tpu.memory_space<hbm>>
      %dma_start3A_19 = arith.constant 0 : i32
      %dma_start3A_20 = tpu.memref_slice %arg2[%mul3A_2, %dma_start3A_19] : memref<3328x128xi32, #tpu.memory_space<hbm>> -> memref<104x128xi32, #tpu.memory_space<hbm>>
      tpu.enqueue_dma source(%dma_start3A_20 : memref<104x128xi32, #tpu.memory_space<hbm>>) target(%arg7 : memref<104x128xi32, #tpu.memory_space<vmem>>) target_semaphore(%run_scoped3A : memref<!tpu.dma_semaphore, #tpu.memory_space<semaphore_mem>>)
      %dma_wait3A = arith.constant 0 : i32
      %dma_wait3A_21 = tpu.memref_slice %arg2[%mul3A_2, %dma_wait3A] : memref<3328x128xi32, #tpu.memory_space<hbm>> -> memref<104x128xi32, #tpu.memory_space<hbm>>
      %dma_wait3A_22 = arith.constant 0 : i32
      %dma_wait3A_23 = tpu.memref_slice %arg2[%mul3A_2, %dma_wait3A_22] : memref<3328x128xi32, #tpu.memory_space<hbm>> -> memref<104x128xi32, #tpu.memory_space<hbm>>
      tpu.wait_dma2 semaphore(%run_scoped3A : memref<!tpu.dma_semaphore, #tpu.memory_space<semaphore_mem>>) src(%dma_wait3A_23 : memref<104x128xi32, #tpu.memory_space<hbm>>) dst(%arg7 : memref<104x128xi32, #tpu.memory_space<vmem>>)
      tpu.yield
    }) : () -> ()
    "tpu.region"() ({
      %run_scoped3A = tpu.sem_alloc : memref<!tpu.dma_semaphore, #tpu.memory_space<semaphore_mem>>
      tpu.enqueue_dma source(%arg5 : memref<16xf32, #tpu.memory_space<hbm>>) target(%arg11 : memref<16xf32, #tpu.memory_space<vmem>>) target_semaphore(%run_scoped3A : memref<!tpu.dma_semaphore, #tpu.memory_space<semaphore_mem>>)
      tpu.wait_dma2 semaphore(%run_scoped3A : memref<!tpu.dma_semaphore, #tpu.memory_space<semaphore_mem>>) src(%arg5 : memref<16xf32, #tpu.memory_space<hbm>>) dst(%arg11 : memref<16xf32, #tpu.memory_space<vmem>>)
      tpu.yield
    }) : () -> ()
    %iota3A = tpu.iota {dimensions = array<i32: 0>} : vector<16xi32>
    %eq3A = arith.constant 15 : i32
    %eq3A_3 = vector.broadcast %eq3A : i32 to vector<16xi32>
    %eq3A_4 = arith.cmpi eq, %iota3A, %eq3A_3 : vector<16xi32>
    %scan3A = arith.constant 0 : i32
    %scan3A_5 = arith.constant 0 : i32
    %scan3A_6 = arith.constant 8 : i32
    %scan3A_7 = arith.addi %scan3A_5, %scan3A_6 : i32
    %scan3A_8 = arith.constant 1 : i32
    scf.for %scan3A_18 = %scan3A_5 to %scan3A_7 step %scan3A_8  : i32 {
      %mul3A_19 = arith.constant 13 : i32
      %mul3A_20 = arith.muli %scan3A_18, %mul3A_19 : i32
      %add3A_21 = arith.constant 0 : i32
      %add3A_22 = arith.addi %mul3A_20, %add3A_21 : i32
      %dma_start3A = arith.constant 0 : i32
      %dma_start3A_23 = arith.constant 0 : i32
      %dma_start3A_24 = tpu.memref_slice %arg8[%dma_start3A, %dma_start3A_23] : memref<1664x16xf32, #tpu.memory_space<vmem>> -> memref<128x16xf32, #tpu.memory_space<vmem>>
      %dma_start3A_25 = arith.constant 0 : i32
      %dma_start3A_26 = tpu.memref_slice %arg7[%add3A_22, %dma_start3A_25] : memref<104x128xi32, #tpu.memory_space<vmem>> -> memref<1x128xi32, #tpu.memory_space<vmem>>
      %dma_start3A_27 = tpu.memref_squeeze %dma_start3A_26 : memref<1x128xi32, #tpu.memory_space<vmem>> -> memref<128xi32, #tpu.memory_space<vmem>>
      %dma_start3A_28 = arith.constant 0 : i32
      %dma_start3A_29 = arith.constant 0 : i32
      %dma_start3A_30 = tpu.memref_slice %arg3[%dma_start3A_28, %dma_start3A_29] : memref<2600000x16xf32, #tpu.memory_space<hbm>> -> memref<2600000x16xf32, #tpu.memory_space<hbm>>
      tpu.enqueue_indirect_dma source(%dma_start3A_30 : memref<2600000x16xf32, #tpu.memory_space<hbm>>) target(%dma_start3A_24 : memref<128x16xf32, #tpu.memory_space<vmem>>) offsets(%dma_start3A_27 : memref<128xi32, #tpu.memory_space<vmem>>) semaphore(%arg12 : memref<!tpu.dma_semaphore, #tpu.memory_space<semaphore_mem>>)
      %dma_start3A_31 = arith.constant 0 : i32
      %dma_start3A_32 = tpu.memref_slice %arg9[%dma_start3A_31] : memref<1664xf32, #tpu.memory_space<vmem>> -> memref<128xf32, #tpu.memory_space<vmem>>
      %dma_start3A_33 = arith.constant 0 : i32
      %dma_start3A_34 = tpu.memref_slice %arg7[%add3A_22, %dma_start3A_33] : memref<104x128xi32, #tpu.memory_space<vmem>> -> memref<1x128xi32, #tpu.memory_space<vmem>>
      %dma_start3A_35 = tpu.memref_squeeze %dma_start3A_34 : memref<1x128xi32, #tpu.memory_space<vmem>> -> memref<128xi32, #tpu.memory_space<vmem>>
      %dma_start3A_36 = arith.constant 0 : i32
      %dma_start3A_37 = tpu.memref_slice %arg4[%dma_start3A_36] : memref<2600000xf32, #tpu.memory_space<hbm>> -> memref<2600000xf32, #tpu.memory_space<hbm>>
      tpu.enqueue_indirect_dma source(%dma_start3A_37 : memref<2600000xf32, #tpu.memory_space<hbm>>) target(%dma_start3A_32 : memref<128xf32, #tpu.memory_space<vmem>>) offsets(%dma_start3A_35 : memref<128xi32, #tpu.memory_space<vmem>>) semaphore(%arg13 : memref<!tpu.dma_semaphore, #tpu.memory_space<semaphore_mem>>)
      %add3A_38 = arith.constant 1 : i32
      %add3A_39 = arith.addi %mul3A_20, %add3A_38 : i32
      %dma_start3A_40 = arith.constant 128 : i32
      %dma_start3A_41 = arith.constant 0 : i32
      %dma_start3A_42 = tpu.memref_slice %arg8[%dma_start3A_40, %dma_start3A_41] : memref<1664x16xf32, #tpu.memory_space<vmem>> -> memref<128x16xf32, #tpu.memory_space<vmem>>
      %dma_start3A_43 = arith.constant 0 : i32
      %dma_start3A_44 = tpu.memref_slice %arg7[%add3A_39, %dma_start3A_43] : memref<104x128xi32, #tpu.memory_space<vmem>> -> memref<1x128xi32, #tpu.memory_space<vmem>>
      %dma_start3A_45 = tpu.memref_squeeze %dma_start3A_44 : memref<1x128xi32, #tpu.memory_space<vmem>> -> memref<128xi32, #tpu.memory_space<vmem>>
      %dma_start3A_46 = arith.constant 0 : i32
      %dma_start3A_47 = arith.constant 0 : i32
      %dma_start3A_48 = tpu.memref_slice %arg3[%dma_start3A_46, %dma_start3A_47] : memref<2600000x16xf32, #tpu.memory_space<hbm>> -> memref<2600000x16xf32, #tpu.memory_space<hbm>>
      tpu.enqueue_indirect_dma source(%dma_start3A_48 : memref<2600000x16xf32, #tpu.memory_space<hbm>>) target(%dma_start3A_42 : memref<128x16xf32, #tpu.memory_space<vmem>>) offsets(%dma_start3A_45 : memref<128xi32, #tpu.memory_space<vmem>>) semaphore(%arg12 : memref<!tpu.dma_semaphore, #tpu.memory_space<semaphore_mem>>)
      %dma_start3A_49 = arith.constant 128 : i32
      %dma_start3A_50 = tpu.memref_slice %arg9[%dma_start3A_49] : memref<1664xf32, #tpu.memory_space<vmem>> -> memref<128xf32, #tpu.memory_space<vmem>>
      %dma_start3A_51 = arith.constant 0 : i32
      %dma_start3A_52 = tpu.memref_slice %arg7[%add3A_39, %dma_start3A_51] : memref<104x128xi32, #tpu.memory_space<vmem>> -> memref<1x128xi32, #tpu.memory_space<vmem>>
      %dma_start3A_53 = tpu.memref_squeeze %dma_start3A_52 : memref<1x128xi32, #tpu.memory_space<vmem>> -> memref<128xi32, #tpu.memory_space<vmem>>
      %dma_start3A_54 = arith.constant 0 : i32
      %dma_start3A_55 = tpu.memref_slice %arg4[%dma_start3A_54] : memref<2600000xf32, #tpu.memory_space<hbm>> -> memref<2600000xf32, #tpu.memory_space<hbm>>
      tpu.enqueue_indirect_dma source(%dma_start3A_55 : memref<2600000xf32, #tpu.memory_space<hbm>>) target(%dma_start3A_50 : memref<128xf32, #tpu.memory_space<vmem>>) offsets(%dma_start3A_53 : memref<128xi32, #tpu.memory_space<vmem>>) semaphore(%arg13 : memref<!tpu.dma_semaphore, #tpu.memory_space<semaphore_mem>>)
      %add3A_56 = arith.constant 2 : i32
      %add3A_57 = arith.addi %mul3A_20, %add3A_56 : i32
      %dma_start3A_58 = arith.constant 256 : i32
      %dma_start3A_59 = arith.constant 0 : i32
      %dma_start3A_60 = tpu.memref_slice %arg8[%dma_start3A_58, %dma_start3A_59] : memref<1664x16xf32, #tpu.memory_space<vmem>> -> memref<128x16xf32, #tpu.memory_space<vmem>>
      %dma_start3A_61 = arith.constant 0 : i32
      %dma_start3A_62 = tpu.memref_slice %arg7[%add3A_57, %dma_start3A_61] : memref<104x128xi32, #tpu.memory_space<vmem>> -> memref<1x128xi32, #tpu.memory_space<vmem>>
      %dma_start3A_63 = tpu.memref_squeeze %dma_start3A_62 : memref<1x128xi32, #tpu.memory_space<vmem>> -> memref<128xi32, #tpu.memory_space<vmem>>
      %dma_start3A_64 = arith.constant 0 : i32
      %dma_start3A_65 = arith.constant 0 : i32
      %dma_start3A_66 = tpu.memref_slice %arg3[%dma_start3A_64, %dma_start3A_65] : memref<2600000x16xf32, #tpu.memory_space<hbm>> -> memref<2600000x16xf32, #tpu.memory_space<hbm>>
      tpu.enqueue_indirect_dma source(%dma_start3A_66 : memref<2600000x16xf32, #tpu.memory_space<hbm>>) target(%dma_start3A_60 : memref<128x16xf32, #tpu.memory_space<vmem>>) offsets(%dma_start3A_63 : memref<128xi32, #tpu.memory_space<vmem>>) semaphore(%arg12 : memref<!tpu.dma_semaphore, #tpu.memory_space<semaphore_mem>>)
      %dma_start3A_67 = arith.constant 256 : i32
      %dma_start3A_68 = tpu.memref_slice %arg9[%dma_start3A_67] : memref<1664xf32, #tpu.memory_space<vmem>> -> memref<128xf32, #tpu.memory_space<vmem>>
      %dma_start3A_69 = arith.constant 0 : i32
      %dma_start3A_70 = tpu.memref_slice %arg7[%add3A_57, %dma_start3A_69] : memref<104x128xi32, #tpu.memory_space<vmem>> -> memref<1x128xi32, #tpu.memory_space<vmem>>
      %dma_start3A_71 = tpu.memref_squeeze %dma_start3A_70 : memref<1x128xi32, #tpu.memory_space<vmem>> -> memref<128xi32, #tpu.memory_space<vmem>>
      %dma_start3A_72 = arith.constant 0 : i32
      %dma_start3A_73 = tpu.memref_slice %arg4[%dma_start3A_72] : memref<2600000xf32, #tpu.memory_space<hbm>> -> memref<2600000xf32, #tpu.memory_space<hbm>>
      tpu.enqueue_indirect_dma source(%dma_start3A_73 : memref<2600000xf32, #tpu.memory_space<hbm>>) target(%dma_start3A_68 : memref<128xf32, #tpu.memory_space<vmem>>) offsets(%dma_start3A_71 : memref<128xi32, #tpu.memory_space<vmem>>) semaphore(%arg13 : memref<!tpu.dma_semaphore, #tpu.memory_space<semaphore_mem>>)
      %add3A_74 = arith.constant 3 : i32
      %add3A_75 = arith.addi %mul3A_20, %add3A_74 : i32
      %dma_start3A_76 = arith.constant 384 : i32
      %dma_start3A_77 = arith.constant 0 : i32
      %dma_start3A_78 = tpu.memref_slice %arg8[%dma_start3A_76, %dma_start3A_77] : memref<1664x16xf32, #tpu.memory_space<vmem>> -> memref<128x16xf32, #tpu.memory_space<vmem>>
      %dma_start3A_79 = arith.constant 0 : i32
      %dma_start3A_80 = tpu.memref_slice %arg7[%add3A_75, %dma_start3A_79] : memref<104x128xi32, #tpu.memory_space<vmem>> -> memref<1x128xi32, #tpu.memory_space<vmem>>
      %dma_start3A_81 = tpu.memref_squeeze %dma_start3A_80 : memref<1x128xi32, #tpu.memory_space<vmem>> -> memref<128xi32, #tpu.memory_space<vmem>>
      %dma_start3A_82 = arith.constant 0 : i32
      %dma_start3A_83 = arith.constant 0 : i32
      %dma_start3A_84 = tpu.memref_slice %arg3[%dma_start3A_82, %dma_start3A_83] : memref<2600000x16xf32, #tpu.memory_space<hbm>> -> memref<2600000x16xf32, #tpu.memory_space<hbm>>
      tpu.enqueue_indirect_dma source(%dma_start3A_84 : memref<2600000x16xf32, #tpu.memory_space<hbm>>) target(%dma_start3A_78 : memref<128x16xf32, #tpu.memory_space<vmem>>) offsets(%dma_start3A_81 : memref<128xi32, #tpu.memory_space<vmem>>) semaphore(%arg12 : memref<!tpu.dma_semaphore, #tpu.memory_space<semaphore_mem>>)
      %dma_start3A_85 = arith.constant 384 : i32
      %dma_start3A_86 = tpu.memref_slice %arg9[%dma_start3A_85] : memref<1664xf32, #tpu.memory_space<vmem>> -> memref<128xf32, #tpu.memory_space<vmem>>
      %dma_start3A_87 = arith.constant 0 : i32
      %dma_start3A_88 = tpu.memref_slice %arg7[%add3A_75, %dma_start3A_87] : memref<104x128xi32, #tpu.memory_space<vmem>> -> memref<1x128xi32, #tpu.memory_space<vmem>>
      %dma_start3A_89 = tpu.memref_squeeze %dma_start3A_88 : memref<1x128xi32, #tpu.memory_space<vmem>> -> memref<128xi32, #tpu.memory_space<vmem>>
      %dma_start3A_90 = arith.constant 0 : i32
      %dma_start3A_91 = tpu.memref_slice %arg4[%dma_start3A_90] : memref<2600000xf32, #tpu.memory_space<hbm>> -> memref<2600000xf32, #tpu.memory_space<hbm>>
      tpu.enqueue_indirect_dma source(%dma_start3A_91 : memref<2600000xf32, #tpu.memory_space<hbm>>) target(%dma_start3A_86 : memref<128xf32, #tpu.memory_space<vmem>>) offsets(%dma_start3A_89 : memref<128xi32, #tpu.memory_space<vmem>>) semaphore(%arg13 : memref<!tpu.dma_semaphore, #tpu.memory_space<semaphore_mem>>)
      %add3A_92 = arith.constant 4 : i32
      %add3A_93 = arith.addi %mul3A_20, %add3A_92 : i32
      %dma_start3A_94 = arith.constant 512 : i32
      %dma_start3A_95 = arith.constant 0 : i32
      %dma_start3A_96 = tpu.memref_slice %arg8[%dma_start3A_94, %dma_start3A_95] : memref<1664x16xf32, #tpu.memory_space<vmem>> -> memref<128x16xf32, #tpu.memory_space<vmem>>
      %dma_start3A_97 = arith.constant 0 : i32
      %dma_start3A_98 = tpu.memref_slice %arg7[%add3A_93, %dma_start3A_97] : memref<104x128xi32, #tpu.memory_space<vmem>> -> memref<1x128xi32, #tpu.memory_space<vmem>>
      %dma_start3A_99 = tpu.memref_squeeze %dma_start3A_98 : memref<1x128xi32, #tpu.memory_space<vmem>> -> memref<128xi32, #tpu.memory_space<vmem>>
      %dma_start3A_100 = arith.constant 0 : i32
      %dma_start3A_101 = arith.constant 0 : i32
      %dma_start3A_102 = tpu.memref_slice %arg3[%dma_start3A_100, %dma_start3A_101] : memref<2600000x16xf32, #tpu.memory_space<hbm>> -> memref<2600000x16xf32, #tpu.memory_space<hbm>>
      tpu.enqueue_indirect_dma source(%dma_start3A_102 : memref<2600000x16xf32, #tpu.memory_space<hbm>>) target(%dma_start3A_96 : memref<128x16xf32, #tpu.memory_space<vmem>>) offsets(%dma_start3A_99 : memref<128xi32, #tpu.memory_space<vmem>>) semaphore(%arg12 : memref<!tpu.dma_semaphore, #tpu.memory_space<semaphore_mem>>)
      %dma_start3A_103 = arith.constant 512 : i32
      %dma_start3A_104 = tpu.memref_slice %arg9[%dma_start3A_103] : memref<1664xf32, #tpu.memory_space<vmem>> -> memref<128xf32, #tpu.memory_space<vmem>>
      %dma_start3A_105 = arith.constant 0 : i32
      %dma_start3A_106 = tpu.memref_slice %arg7[%add3A_93, %dma_start3A_105] : memref<104x128xi32, #tpu.memory_space<vmem>> -> memref<1x128xi32, #tpu.memory_space<vmem>>
      %dma_start3A_107 = tpu.memref_squeeze %dma_start3A_106 : memref<1x128xi32, #tpu.memory_space<vmem>> -> memref<128xi32, #tpu.memory_space<vmem>>
      %dma_start3A_108 = arith.constant 0 : i32
      %dma_start3A_109 = tpu.memref_slice %arg4[%dma_start3A_108] : memref<2600000xf32, #tpu.memory_space<hbm>> -> memref<2600000xf32, #tpu.memory_space<hbm>>
      tpu.enqueue_indirect_dma source(%dma_start3A_109 : memref<2600000xf32, #tpu.memory_space<hbm>>) target(%dma_start3A_104 : memref<128xf32, #tpu.memory_space<vmem>>) offsets(%dma_start3A_107 : memref<128xi32, #tpu.memory_space<vmem>>) semaphore(%arg13 : memref<!tpu.dma_semaphore, #tpu.memory_space<semaphore_mem>>)
      %add3A_110 = arith.constant 5 : i32
      %add3A_111 = arith.addi %mul3A_20, %add3A_110 : i32
      %dma_start3A_112 = arith.constant 640 : i32
      %dma_start3A_113 = arith.constant 0 : i32
      %dma_start3A_114 = tpu.memref_slice %arg8[%dma_start3A_112, %dma_start3A_113] : memref<1664x16xf32, #tpu.memory_space<vmem>> -> memref<128x16xf32, #tpu.memory_space<vmem>>
      %dma_start3A_115 = arith.constant 0 : i32
      %dma_start3A_116 = tpu.memref_slice %arg7[%add3A_111, %dma_start3A_115] : memref<104x128xi32, #tpu.memory_space<vmem>> -> memref<1x128xi32, #tpu.memory_space<vmem>>
      %dma_start3A_117 = tpu.memref_squeeze %dma_start3A_116 : memref<1x128xi32, #tpu.memory_space<vmem>> -> memref<128xi32, #tpu.memory_space<vmem>>
      %dma_start3A_118 = arith.constant 0 : i32
      %dma_start3A_119 = arith.constant 0 : i32
      %dma_start3A_120 = tpu.memref_slice %arg3[%dma_start3A_118, %dma_start3A_119] : memref<2600000x16xf32, #tpu.memory_space<hbm>> -> memref<2600000x16xf32, #tpu.memory_space<hbm>>
      tpu.enqueue_indirect_dma source(%dma_start3A_120 : memref<2600000x16xf32, #tpu.memory_space<hbm>>) target(%dma_start3A_114 : memref<128x16xf32, #tpu.memory_space<vmem>>) offsets(%dma_start3A_117 : memref<128xi32, #tpu.memory_space<vmem>>) semaphore(%arg12 : memref<!tpu.dma_semaphore, #tpu.memory_space<semaphore_mem>>)
      %dma_start3A_121 = arith.constant 640 : i32
      %dma_start3A_122 = tpu.memref_slice %arg9[%dma_start3A_121] : memref<1664xf32, #tpu.memory_space<vmem>> -> memref<128xf32, #tpu.memory_space<vmem>>
      %dma_start3A_123 = arith.constant 0 : i32
      %dma_start3A_124 = tpu.memref_slice %arg7[%add3A_111, %dma_start3A_123] : memref<104x128xi32, #tpu.memory_space<vmem>> -> memref<1x128xi32, #tpu.memory_space<vmem>>
      %dma_start3A_125 = tpu.memref_squeeze %dma_start3A_124 : memref<1x128xi32, #tpu.memory_space<vmem>> -> memref<128xi32, #tpu.memory_space<vmem>>
      %dma_start3A_126 = arith.constant 0 : i32
      %dma_start3A_127 = tpu.memref_slice %arg4[%dma_start3A_126] : memref<2600000xf32, #tpu.memory_space<hbm>> -> memref<2600000xf32, #tpu.memory_space<hbm>>
      tpu.enqueue_indirect_dma source(%dma_start3A_127 : memref<2600000xf32, #tpu.memory_space<hbm>>) target(%dma_start3A_122 : memref<128xf32, #tpu.memory_space<vmem>>) offsets(%dma_start3A_125 : memref<128xi32, #tpu.memory_space<vmem>>) semaphore(%arg13 : memref<!tpu.dma_semaphore, #tpu.memory_space<semaphore_mem>>)
      %add3A_128 = arith.constant 6 : i32
      %add3A_129 = arith.addi %mul3A_20, %add3A_128 : i32
      %dma_start3A_130 = arith.constant 768 : i32
      %dma_start3A_131 = arith.constant 0 : i32
      %dma_start3A_132 = tpu.memref_slice %arg8[%dma_start3A_130, %dma_start3A_131] : memref<1664x16xf32, #tpu.memory_space<vmem>> -> memref<128x16xf32, #tpu.memory_space<vmem>>
      %dma_start3A_133 = arith.constant 0 : i32
      %dma_start3A_134 = tpu.memref_slice %arg7[%add3A_129, %dma_start3A_133] : memref<104x128xi32, #tpu.memory_space<vmem>> -> memref<1x128xi32, #tpu.memory_space<vmem>>
      %dma_start3A_135 = tpu.memref_squeeze %dma_start3A_134 : memref<1x128xi32, #tpu.memory_space<vmem>> -> memref<128xi32, #tpu.memory_space<vmem>>
      %dma_start3A_136 = arith.constant 0 : i32
      %dma_start3A_137 = arith.constant 0 : i32
      %dma_start3A_138 = tpu.memref_slice %arg3[%dma_start3A_136, %dma_start3A_137] : memref<2600000x16xf32, #tpu.memory_space<hbm>> -> memref<2600000x16xf32, #tpu.memory_space<hbm>>
      tpu.enqueue_indirect_dma source(%dma_start3A_138 : memref<2600000x16xf32, #tpu.memory_space<hbm>>) target(%dma_start3A_132 : memref<128x16xf32, #tpu.memory_space<vmem>>) offsets(%dma_start3A_135 : memref<128xi32, #tpu.memory_space<vmem>>) semaphore(%arg12 : memref<!tpu.dma_semaphore, #tpu.memory_space<semaphore_mem>>)
      %dma_start3A_139 = arith.constant 768 : i32
      %dma_start3A_140 = tpu.memref_slice %arg9[%dma_start3A_139] : memref<1664xf32, #tpu.memory_space<vmem>> -> memref<128xf32, #tpu.memory_space<vmem>>
      %dma_start3A_141 = arith.constant 0 : i32
      %dma_start3A_142 = tpu.memref_slice %arg7[%add3A_129, %dma_start3A_141] : memref<104x128xi32, #tpu.memory_space<vmem>> -> memref<1x128xi32, #tpu.memory_space<vmem>>
      %dma_start3A_143 = tpu.memref_squeeze %dma_start3A_142 : memref<1x128xi32, #tpu.memory_space<vmem>> -> memref<128xi32, #tpu.memory_space<vmem>>
      %dma_start3A_144 = arith.constant 0 : i32
      %dma_start3A_145 = tpu.memref_slice %arg4[%dma_start3A_144] : memref<2600000xf32, #tpu.memory_space<hbm>> -> memref<2600000xf32, #tpu.memory_space<hbm>>
      tpu.enqueue_indirect_dma source(%dma_start3A_145 : memref<2600000xf32, #tpu.memory_space<hbm>>) target(%dma_start3A_140 : memref<128xf32, #tpu.memory_space<vmem>>) offsets(%dma_start3A_143 : memref<128xi32, #tpu.memory_space<vmem>>) semaphore(%arg13 : memref<!tpu.dma_semaphore, #tpu.memory_space<semaphore_mem>>)
      %add3A_146 = arith.constant 7 : i32
      %add3A_147 = arith.addi %mul3A_20, %add3A_146 : i32
      %dma_start3A_148 = arith.constant 896 : i32
      %dma_start3A_149 = arith.constant 0 : i32
      %dma_start3A_150 = tpu.memref_slice %arg8[%dma_start3A_148, %dma_start3A_149] : memref<1664x16xf32, #tpu.memory_space<vmem>> -> memref<128x16xf32, #tpu.memory_space<vmem>>
      %dma_start3A_151 = arith.constant 0 : i32
      %dma_start3A_152 = tpu.memref_slice %arg7[%add3A_147, %dma_start3A_151] : memref<104x128xi32, #tpu.memory_space<vmem>> -> memref<1x128xi32, #tpu.memory_space<vmem>>
      %dma_start3A_153 = tpu.memref_squeeze %dma_start3A_152 : memref<1x128xi32, #tpu.memory_space<vmem>> -> memref<128xi32, #tpu.memory_space<vmem>>
      %dma_start3A_154 = arith.constant 0 : i32
      %dma_start3A_155 = arith.constant 0 : i32
      %dma_start3A_156 = tpu.memref_slice %arg3[%dma_start3A_154, %dma_start3A_155] : memref<2600000x16xf32, #tpu.memory_space<hbm>> -> memref<2600000x16xf32, #tpu.memory_space<hbm>>
      tpu.enqueue_indirect_dma source(%dma_start3A_156 : memref<2600000x16xf32, #tpu.memory_space<hbm>>) target(%dma_start3A_150 : memref<128x16xf32, #tpu.memory_space<vmem>>) offsets(%dma_start3A_153 : memref<128xi32, #tpu.memory_space<vmem>>) semaphore(%arg12 : memref<!tpu.dma_semaphore, #tpu.memory_space<semaphore_mem>>)
      %dma_start3A_157 = arith.constant 896 : i32
      %dma_start3A_158 = tpu.memref_slice %arg9[%dma_start3A_157] : memref<1664xf32, #tpu.memory_space<vmem>> -> memref<128xf32, #tpu.memory_space<vmem>>
      %dma_start3A_159 = arith.constant 0 : i32
      %dma_start3A_160 = tpu.memref_slice %arg7[%add3A_147, %dma_start3A_159] : memref<104x128xi32, #tpu.memory_space<vmem>> -> memref<1x128xi32, #tpu.memory_space<vmem>>
      %dma_start3A_161 = tpu.memref_squeeze %dma_start3A_160 : memref<1x128xi32, #tpu.memory_space<vmem>> -> memref<128xi32, #tpu.memory_space<vmem>>
      %dma_start3A_162 = arith.constant 0 : i32
      %dma_start3A_163 = tpu.memref_slice %arg4[%dma_start3A_162] : memref<2600000xf32, #tpu.memory_space<hbm>> -> memref<2600000xf32, #tpu.memory_space<hbm>>
      tpu.enqueue_indirect_dma source(%dma_start3A_163 : memref<2600000xf32, #tpu.memory_space<hbm>>) target(%dma_start3A_158 : memref<128xf32, #tpu.memory_space<vmem>>) offsets(%dma_start3A_161 : memref<128xi32, #tpu.memory_space<vmem>>) semaphore(%arg13 : memref<!tpu.dma_semaphore, #tpu.memory_space<semaphore_mem>>)
      %add3A_164 = arith.constant 8 : i32
      %add3A_165 = arith.addi %mul3A_20, %add3A_164 : i32
      %dma_start3A_166 = arith.constant 1024 : i32
      %dma_start3A_167 = arith.constant 0 : i32
      %dma_start3A_168 = tpu.memref_slice %arg8[%dma_start3A_166, %dma_start3A_167] : memref<1664x16xf32, #tpu.memory_space<vmem>> -> memref<128x16xf32, #tpu.memory_space<vmem>>
      %dma_start3A_169 = arith.constant 0 : i32
      %dma_start3A_170 = tpu.memref_slice %arg7[%add3A_165, %dma_start3A_169] : memref<104x128xi32, #tpu.memory_space<vmem>> -> memref<1x128xi32, #tpu.memory_space<vmem>>
      %dma_start3A_171 = tpu.memref_squeeze %dma_start3A_170 : memref<1x128xi32, #tpu.memory_space<vmem>> -> memref<128xi32, #tpu.memory_space<vmem>>
      %dma_start3A_172 = arith.constant 0 : i32
      %dma_start3A_173 = arith.constant 0 : i32
      %dma_start3A_174 = tpu.memref_slice %arg3[%dma_start3A_172, %dma_start3A_173] : memref<2600000x16xf32, #tpu.memory_space<hbm>> -> memref<2600000x16xf32, #tpu.memory_space<hbm>>
      tpu.enqueue_indirect_dma source(%dma_start3A_174 : memref<2600000x16xf32, #tpu.memory_space<hbm>>) target(%dma_start3A_168 : memref<128x16xf32, #tpu.memory_space<vmem>>) offsets(%dma_start3A_171 : memref<128xi32, #tpu.memory_space<vmem>>) semaphore(%arg12 : memref<!tpu.dma_semaphore, #tpu.memory_space<semaphore_mem>>)
      %dma_start3A_175 = arith.constant 1024 : i32
      %dma_start3A_176 = tpu.memref_slice %arg9[%dma_start3A_175] : memref<1664xf32, #tpu.memory_space<vmem>> -> memref<128xf32, #tpu.memory_space<vmem>>
      %dma_start3A_177 = arith.constant 0 : i32
      %dma_start3A_178 = tpu.memref_slice %arg7[%add3A_165, %dma_start3A_177] : memref<104x128xi32, #tpu.memory_space<vmem>> -> memref<1x128xi32, #tpu.memory_space<vmem>>
      %dma_start3A_179 = tpu.memref_squeeze %dma_start3A_178 : memref<1x128xi32, #tpu.memory_space<vmem>> -> memref<128xi32, #tpu.memory_space<vmem>>
      %dma_start3A_180 = arith.constant 0 : i32
      %dma_start3A_181 = tpu.memref_slice %arg4[%dma_start3A_180] : memref<2600000xf32, #tpu.memory_space<hbm>> -> memref<2600000xf32, #tpu.memory_space<hbm>>
      tpu.enqueue_indirect_dma source(%dma_start3A_181 : memref<2600000xf32, #tpu.memory_space<hbm>>) target(%dma_start3A_176 : memref<128xf32, #tpu.memory_space<vmem>>) offsets(%dma_start3A_179 : memref<128xi32, #tpu.memory_space<vmem>>) semaphore(%arg13 : memref<!tpu.dma_semaphore, #tpu.memory_space<semaphore_mem>>)
      %add3A_182 = arith.constant 9 : i32
      %add3A_183 = arith.addi %mul3A_20, %add3A_182 : i32
      %dma_start3A_184 = arith.constant 1152 : i32
      %dma_start3A_185 = arith.constant 0 : i32
      %dma_start3A_186 = tpu.memref_slice %arg8[%dma_start3A_184, %dma_start3A_185] : memref<1664x16xf32, #tpu.memory_space<vmem>> -> memref<128x16xf32, #tpu.memory_space<vmem>>
      %dma_start3A_187 = arith.constant 0 : i32
      %dma_start3A_188 = tpu.memref_slice %arg7[%add3A_183, %dma_start3A_187] : memref<104x128xi32, #tpu.memory_space<vmem>> -> memref<1x128xi32, #tpu.memory_space<vmem>>
      %dma_start3A_189 = tpu.memref_squeeze %dma_start3A_188 : memref<1x128xi32, #tpu.memory_space<vmem>> -> memref<128xi32, #tpu.memory_space<vmem>>
      %dma_start3A_190 = arith.constant 0 : i32
      %dma_start3A_191 = arith.constant 0 : i32
      %dma_start3A_192 = tpu.memref_slice %arg3[%dma_start3A_190, %dma_start3A_191] : memref<2600000x16xf32, #tpu.memory_space<hbm>> -> memref<2600000x16xf32, #tpu.memory_space<hbm>>
      tpu.enqueue_indirect_dma source(%dma_start3A_192 : memref<2600000x16xf32, #tpu.memory_space<hbm>>) target(%dma_start3A_186 : memref<128x16xf32, #tpu.memory_space<vmem>>) offsets(%dma_start3A_189 : memref<128xi32, #tpu.memory_space<vmem>>) semaphore(%arg12 : memref<!tpu.dma_semaphore, #tpu.memory_space<semaphore_mem>>)
      %dma_start3A_193 = arith.constant 1152 : i32
      %dma_start3A_194 = tpu.memref_slice %arg9[%dma_start3A_193] : memref<1664xf32, #tpu.memory_space<vmem>> -> memref<128xf32, #tpu.memory_space<vmem>>
      %dma_start3A_195 = arith.constant 0 : i32
      %dma_start3A_196 = tpu.memref_slice %arg7[%add3A_183, %dma_start3A_195] : memref<104x128xi32, #tpu.memory_space<vmem>> -> memref<1x128xi32, #tpu.memory_space<vmem>>
      %dma_start3A_197 = tpu.memref_squeeze %dma_start3A_196 : memref<1x128xi32, #tpu.memory_space<vmem>> -> memref<128xi32, #tpu.memory_space<vmem>>
      %dma_start3A_198 = arith.constant 0 : i32
      %dma_start3A_199 = tpu.memref_slice %arg4[%dma_start3A_198] : memref<2600000xf32, #tpu.memory_space<hbm>> -> memref<2600000xf32, #tpu.memory_space<hbm>>
      tpu.enqueue_indirect_dma source(%dma_start3A_199 : memref<2600000xf32, #tpu.memory_space<hbm>>) target(%dma_start3A_194 : memref<128xf32, #tpu.memory_space<vmem>>) offsets(%dma_start3A_197 : memref<128xi32, #tpu.memory_space<vmem>>) semaphore(%arg13 : memref<!tpu.dma_semaphore, #tpu.memory_space<semaphore_mem>>)
      %add3A_200 = arith.constant 10 : i32
      %add3A_201 = arith.addi %mul3A_20, %add3A_200 : i32
      %dma_start3A_202 = arith.constant 1280 : i32
      %dma_start3A_203 = arith.constant 0 : i32
      %dma_start3A_204 = tpu.memref_slice %arg8[%dma_start3A_202, %dma_start3A_203] : memref<1664x16xf32, #tpu.memory_space<vmem>> -> memref<128x16xf32, #tpu.memory_space<vmem>>
      %dma_start3A_205 = arith.constant 0 : i32
      %dma_start3A_206 = tpu.memref_slice %arg7[%add3A_201, %dma_start3A_205] : memref<104x128xi32, #tpu.memory_space<vmem>> -> memref<1x128xi32, #tpu.memory_space<vmem>>
      %dma_start3A_207 = tpu.memref_squeeze %dma_start3A_206 : memref<1x128xi32, #tpu.memory_space<vmem>> -> memref<128xi32, #tpu.memory_space<vmem>>
      %dma_start3A_208 = arith.constant 0 : i32
      %dma_start3A_209 = arith.constant 0 : i32
      %dma_start3A_210 = tpu.memref_slice %arg3[%dma_start3A_208, %dma_start3A_209] : memref<2600000x16xf32, #tpu.memory_space<hbm>> -> memref<2600000x16xf32, #tpu.memory_space<hbm>>
      tpu.enqueue_indirect_dma source(%dma_start3A_210 : memref<2600000x16xf32, #tpu.memory_space<hbm>>) target(%dma_start3A_204 : memref<128x16xf32, #tpu.memory_space<vmem>>) offsets(%dma_start3A_207 : memref<128xi32, #tpu.memory_space<vmem>>) semaphore(%arg12 : memref<!tpu.dma_semaphore, #tpu.memory_space<semaphore_mem>>)
      %dma_start3A_211 = arith.constant 1280 : i32
      %dma_start3A_212 = tpu.memref_slice %arg9[%dma_start3A_211] : memref<1664xf32, #tpu.memory_space<vmem>> -> memref<128xf32, #tpu.memory_space<vmem>>
      %dma_start3A_213 = arith.constant 0 : i32
      %dma_start3A_214 = tpu.memref_slice %arg7[%add3A_201, %dma_start3A_213] : memref<104x128xi32, #tpu.memory_space<vmem>> -> memref<1x128xi32, #tpu.memory_space<vmem>>
      %dma_start3A_215 = tpu.memref_squeeze %dma_start3A_214 : memref<1x128xi32, #tpu.memory_space<vmem>> -> memref<128xi32, #tpu.memory_space<vmem>>
      %dma_start3A_216 = arith.constant 0 : i32
      %dma_start3A_217 = tpu.memref_slice %arg4[%dma_start3A_216] : memref<2600000xf32, #tpu.memory_space<hbm>> -> memref<2600000xf32, #tpu.memory_space<hbm>>
      tpu.enqueue_indirect_dma source(%dma_start3A_217 : memref<2600000xf32, #tpu.memory_space<hbm>>) target(%dma_start3A_212 : memref<128xf32, #tpu.memory_space<vmem>>) offsets(%dma_start3A_215 : memref<128xi32, #tpu.memory_space<vmem>>) semaphore(%arg13 : memref<!tpu.dma_semaphore, #tpu.memory_space<semaphore_mem>>)
      %add3A_218 = arith.constant 11 : i32
      %add3A_219 = arith.addi %mul3A_20, %add3A_218 : i32
      %dma_start3A_220 = arith.constant 1408 : i32
      %dma_start3A_221 = arith.constant 0 : i32
      %dma_start3A_222 = tpu.memref_slice %arg8[%dma_start3A_220, %dma_start3A_221] : memref<1664x16xf32, #tpu.memory_space<vmem>> -> memref<128x16xf32, #tpu.memory_space<vmem>>
      %dma_start3A_223 = arith.constant 0 : i32
      %dma_start3A_224 = tpu.memref_slice %arg7[%add3A_219, %dma_start3A_223] : memref<104x128xi32, #tpu.memory_space<vmem>> -> memref<1x128xi32, #tpu.memory_space<vmem>>
      %dma_start3A_225 = tpu.memref_squeeze %dma_start3A_224 : memref<1x128xi32, #tpu.memory_space<vmem>> -> memref<128xi32, #tpu.memory_space<vmem>>
      %dma_start3A_226 = arith.constant 0 : i32
      %dma_start3A_227 = arith.constant 0 : i32
      %dma_start3A_228 = tpu.memref_slice %arg3[%dma_start3A_226, %dma_start3A_227] : memref<2600000x16xf32, #tpu.memory_space<hbm>> -> memref<2600000x16xf32, #tpu.memory_space<hbm>>
      tpu.enqueue_indirect_dma source(%dma_start3A_228 : memref<2600000x16xf32, #tpu.memory_space<hbm>>) target(%dma_start3A_222 : memref<128x16xf32, #tpu.memory_space<vmem>>) offsets(%dma_start3A_225 : memref<128xi32, #tpu.memory_space<vmem>>) semaphore(%arg12 : memref<!tpu.dma_semaphore, #tpu.memory_space<semaphore_mem>>)
      %dma_start3A_229 = arith.constant 1408 : i32
      %dma_start3A_230 = tpu.memref_slice %arg9[%dma_start3A_229] : memref<1664xf32, #tpu.memory_space<vmem>> -> memref<128xf32, #tpu.memory_space<vmem>>
      %dma_start3A_231 = arith.constant 0 : i32
      %dma_start3A_232 = tpu.memref_slice %arg7[%add3A_219, %dma_start3A_231] : memref<104x128xi32, #tpu.memory_space<vmem>> -> memref<1x128xi32, #tpu.memory_space<vmem>>
      %dma_start3A_233 = tpu.memref_squeeze %dma_start3A_232 : memref<1x128xi32, #tpu.memory_space<vmem>> -> memref<128xi32, #tpu.memory_space<vmem>>
      %dma_start3A_234 = arith.constant 0 : i32
      %dma_start3A_235 = tpu.memref_slice %arg4[%dma_start3A_234] : memref<2600000xf32, #tpu.memory_space<hbm>> -> memref<2600000xf32, #tpu.memory_space<hbm>>
      tpu.enqueue_indirect_dma source(%dma_start3A_235 : memref<2600000xf32, #tpu.memory_space<hbm>>) target(%dma_start3A_230 : memref<128xf32, #tpu.memory_space<vmem>>) offsets(%dma_start3A_233 : memref<128xi32, #tpu.memory_space<vmem>>) semaphore(%arg13 : memref<!tpu.dma_semaphore, #tpu.memory_space<semaphore_mem>>)
      %add3A_236 = arith.constant 12 : i32
      %add3A_237 = arith.addi %mul3A_20, %add3A_236 : i32
      %dma_start3A_238 = arith.constant 1536 : i32
      %dma_start3A_239 = arith.constant 0 : i32
      %dma_start3A_240 = tpu.memref_slice %arg8[%dma_start3A_238, %dma_start3A_239] : memref<1664x16xf32, #tpu.memory_space<vmem>> -> memref<128x16xf32, #tpu.memory_space<vmem>>
      %dma_start3A_241 = arith.constant 0 : i32
      %dma_start3A_242 = tpu.memref_slice %arg7[%add3A_237, %dma_start3A_241] : memref<104x128xi32, #tpu.memory_space<vmem>> -> memref<1x128xi32, #tpu.memory_space<vmem>>
      %dma_start3A_243 = tpu.memref_squeeze %dma_start3A_242 : memref<1x128xi32, #tpu.memory_space<vmem>> -> memref<128xi32, #tpu.memory_space<vmem>>
      %dma_start3A_244 = arith.constant 0 : i32
      %dma_start3A_245 = arith.constant 0 : i32
      %dma_start3A_246 = tpu.memref_slice %arg3[%dma_start3A_244, %dma_start3A_245] : memref<2600000x16xf32, #tpu.memory_space<hbm>> -> memref<2600000x16xf32, #tpu.memory_space<hbm>>
      tpu.enqueue_indirect_dma source(%dma_start3A_246 : memref<2600000x16xf32, #tpu.memory_space<hbm>>) target(%dma_start3A_240 : memref<128x16xf32, #tpu.memory_space<vmem>>) offsets(%dma_start3A_243 : memref<128xi32, #tpu.memory_space<vmem>>) semaphore(%arg12 : memref<!tpu.dma_semaphore, #tpu.memory_space<semaphore_mem>>)
      %dma_start3A_247 = arith.constant 1536 : i32
      %dma_start3A_248 = tpu.memref_slice %arg9[%dma_start3A_247] : memref<1664xf32, #tpu.memory_space<vmem>> -> memref<128xf32, #tpu.memory_space<vmem>>
      %dma_start3A_249 = arith.constant 0 : i32
      %dma_start3A_250 = tpu.memref_slice %arg7[%add3A_237, %dma_start3A_249] : memref<104x128xi32, #tpu.memory_space<vmem>> -> memref<1x128xi32, #tpu.memory_space<vmem>>
      %dma_start3A_251 = tpu.memref_squeeze %dma_start3A_250 : memref<1x128xi32, #tpu.memory_space<vmem>> -> memref<128xi32, #tpu.memory_space<vmem>>
      %dma_start3A_252 = arith.constant 0 : i32
      %dma_start3A_253 = tpu.memref_slice %arg4[%dma_start3A_252] : memref<2600000xf32, #tpu.memory_space<hbm>> -> memref<2600000xf32, #tpu.memory_space<hbm>>
      tpu.enqueue_indirect_dma source(%dma_start3A_253 : memref<2600000xf32, #tpu.memory_space<hbm>>) target(%dma_start3A_248 : memref<128xf32, #tpu.memory_space<vmem>>) offsets(%dma_start3A_251 : memref<128xi32, #tpu.memory_space<vmem>>) semaphore(%arg13 : memref<!tpu.dma_semaphore, #tpu.memory_space<semaphore_mem>>)
      %dma_wait3A = arith.constant 0 : i32
      %dma_wait3A_254 = arith.constant 0 : i32
      %dma_wait3A_255 = tpu.memref_slice %arg3[%dma_wait3A, %dma_wait3A_254] : memref<2600000x16xf32, #tpu.memory_space<hbm>> -> memref<1664x16xf32, #tpu.memory_space<hbm>>
      %dma_wait3A_256 = arith.constant 0 : i32
      %dma_wait3A_257 = arith.constant 0 : i32
      %dma_wait3A_258 = tpu.memref_slice %arg3[%dma_wait3A_256, %dma_wait3A_257] : memref<2600000x16xf32, #tpu.memory_space<hbm>> -> memref<1664x16xf32, #tpu.memory_space<hbm>>
      tpu.wait_dma2 semaphore(%arg12 : memref<!tpu.dma_semaphore, #tpu.memory_space<semaphore_mem>>) src(%dma_wait3A_258 : memref<1664x16xf32, #tpu.memory_space<hbm>>) dst(%arg8 : memref<1664x16xf32, #tpu.memory_space<vmem>>)
      %dma_wait3A_259 = arith.constant 0 : i32
      %dma_wait3A_260 = tpu.memref_slice %arg4[%dma_wait3A_259] : memref<2600000xf32, #tpu.memory_space<hbm>> -> memref<1664xf32, #tpu.memory_space<hbm>>
      %dma_wait3A_261 = arith.constant 0 : i32
      %dma_wait3A_262 = tpu.memref_slice %arg4[%dma_wait3A_261] : memref<2600000xf32, #tpu.memory_space<hbm>> -> memref<1664xf32, #tpu.memory_space<hbm>>
      tpu.wait_dma2 semaphore(%arg13 : memref<!tpu.dma_semaphore, #tpu.memory_space<semaphore_mem>>) src(%dma_wait3A_262 : memref<1664xf32, #tpu.memory_space<hbm>>) dst(%arg9 : memref<1664xf32, #tpu.memory_space<vmem>>)
      %scan3A_263 = arith.constant 0 : i32
      %scan3A_264 = arith.constant 0 : i32
      %scan3A_265 = arith.constant 64 : i32
      %scan3A_266 = arith.addi %scan3A_264, %scan3A_265 : i32
      %scan3A_267 = arith.constant 1 : i32
      scf.for %scan3A_269 = %scan3A_264 to %scan3A_266 step %scan3A_267  : i32 {
        %mul3A_270 = arith.constant 26 : i32
        %mul3A_271 = arith.muli %scan3A_269, %mul3A_270 : i32
        %get3A = arith.index_cast %mul3A_271 : i32 to index
        %get3A_272 = arith.constant 0 : index
        %get3A_273 = tpu.vector_load %arg8[%get3A, %get3A_272] {strides = array<i32>} : memref<1664x16xf32, #tpu.memory_space<vmem>>, vector<16xf32>,
        %mul3A_274 = arith.mulf %get3A_273, %get3A_273 : vector<16xf32>
        %add3A_275 = arith.constant 1 : i32
        %add3A_276 = arith.addi %mul3A_271, %add3A_275 : i32
        %get3A_277 = arith.index_cast %add3A_276 : i32 to index
        %get3A_278 = arith.constant 0 : index
        %get3A_279 = tpu.vector_load %arg8[%get3A_277, %get3A_278] {strides = array<i32>} : memref<1664x16xf32, #tpu.memory_space<vmem>>, vector<16xf32>,
        %add3A_280 = arith.addf %get3A_273, %get3A_279 : vector<16xf32>
        %mul3A_281 = arith.mulf %get3A_279, %get3A_279 : vector<16xf32>
        %add3A_282 = arith.addf %mul3A_274, %mul3A_281 : vector<16xf32>
        %add3A_283 = arith.constant 2 : i32
        %add3A_284 = arith.addi %mul3A_271, %add3A_283 : i32
        %get3A_285 = arith.index_cast %add3A_284 : i32 to index
        %get3A_286 = arith.constant 0 : index
        %get3A_287 = tpu.vector_load %arg8[%get3A_285, %get3A_286] {strides = array<i32>} : memref<1664x16xf32, #tpu.memory_space<vmem>>, vector<16xf32>,
        %add3A_288 = arith.addf %add3A_280, %get3A_287 : vector<16xf32>
        %mul3A_289 = arith.mulf %get3A_287, %get3A_287 : vector<16xf32>
        %add3A_290 = arith.addf %add3A_282, %mul3A_289 : vector<16xf32>
        %add3A_291 = arith.constant 3 : i32
        %add3A_292 = arith.addi %mul3A_271, %add3A_291 : i32
        %get3A_293 = arith.index_cast %add3A_292 : i32 to index
        %get3A_294 = arith.constant 0 : index
        %get3A_295 = tpu.vector_load %arg8[%get3A_293, %get3A_294] {strides = array<i32>} : memref<1664x16xf32, #tpu.memory_space<vmem>>, vector<16xf32>,
        %add3A_296 = arith.addf %add3A_288, %get3A_295 : vector<16xf32>
        %mul3A_297 = arith.mulf %get3A_295, %get3A_295 : vector<16xf32>
        %add3A_298 = arith.addf %add3A_290, %mul3A_297 : vector<16xf32>
        %add3A_299 = arith.constant 4 : i32
        %add3A_300 = arith.addi %mul3A_271, %add3A_299 : i32
        %get3A_301 = arith.index_cast %add3A_300 : i32 to index
        %get3A_302 = arith.constant 0 : index
        %get3A_303 = tpu.vector_load %arg8[%get3A_301, %get3A_302] {strides = array<i32>} : memref<1664x16xf32, #tpu.memory_space<vmem>>, vector<16xf32>,
        %add3A_304 = arith.addf %add3A_296, %get3A_303 : vector<16xf32>
        %mul3A_305 = arith.mulf %get3A_303, %get3A_303 : vector<16xf32>
        %add3A_306 = arith.addf %add3A_298, %mul3A_305 : vector<16xf32>
        %add3A_307 = arith.constant 5 : i32
        %add3A_308 = arith.addi %mul3A_271, %add3A_307 : i32
        %get3A_309 = arith.index_cast %add3A_308 : i32 to index
        %get3A_310 = arith.constant 0 : index
        %get3A_311 = tpu.vector_load %arg8[%get3A_309, %get3A_310] {strides = array<i32>} : memref<1664x16xf32, #tpu.memory_space<vmem>>, vector<16xf32>,
        %add3A_312 = arith.addf %add3A_304, %get3A_311 : vector<16xf32>
        %mul3A_313 = arith.mulf %get3A_311, %get3A_311 : vector<16xf32>
        %add3A_314 = arith.addf %add3A_306, %mul3A_313 : vector<16xf32>
        %add3A_315 = arith.constant 6 : i32
        %add3A_316 = arith.addi %mul3A_271, %add3A_315 : i32
        %get3A_317 = arith.index_cast %add3A_316 : i32 to index
        %get3A_318 = arith.constant 0 : index
        %get3A_319 = tpu.vector_load %arg8[%get3A_317, %get3A_318] {strides = array<i32>} : memref<1664x16xf32, #tpu.memory_space<vmem>>, vector<16xf32>,
        %add3A_320 = arith.addf %add3A_312, %get3A_319 : vector<16xf32>
        %mul3A_321 = arith.mulf %get3A_319, %get3A_319 : vector<16xf32>
        %add3A_322 = arith.addf %add3A_314, %mul3A_321 : vector<16xf32>
        %add3A_323 = arith.constant 7 : i32
        %add3A_324 = arith.addi %mul3A_271, %add3A_323 : i32
        %get3A_325 = arith.index_cast %add3A_324 : i32 to index
        %get3A_326 = arith.constant 0 : index
        %get3A_327 = tpu.vector_load %arg8[%get3A_325, %get3A_326] {strides = array<i32>} : memref<1664x16xf32, #tpu.memory_space<vmem>>, vector<16xf32>,
        %add3A_328 = arith.addf %add3A_320, %get3A_327 : vector<16xf32>
        %mul3A_329 = arith.mulf %get3A_327, %get3A_327 : vector<16xf32>
        %add3A_330 = arith.addf %add3A_322, %mul3A_329 : vector<16xf32>
        %add3A_331 = arith.constant 8 : i32
        %add3A_332 = arith.addi %mul3A_271, %add3A_331 : i32
        %get3A_333 = arith.index_cast %add3A_332 : i32 to index
        %get3A_334 = arith.constant 0 : index
        %get3A_335 = tpu.vector_load %arg8[%get3A_333, %get3A_334] {strides = array<i32>} : memref<1664x16xf32, #tpu.memory_space<vmem>>, vector<16xf32>,
        %add3A_336 = arith.addf %add3A_328, %get3A_335 : vector<16xf32>
        %mul3A_337 = arith.mulf %get3A_335, %get3A_335 : vector<16xf32>
        %add3A_338 = arith.addf %add3A_330, %mul3A_337 : vector<16xf32>
        %add3A_339 = arith.constant 9 : i32
        %add3A_340 = arith.addi %mul3A_271, %add3A_339 : i32
        %get3A_341 = arith.index_cast %add3A_340 : i32 to index
        %get3A_342 = arith.constant 0 : index
        %get3A_343 = tpu.vector_load %arg8[%get3A_341, %get3A_342] {strides = array<i32>} : memref<1664x16xf32, #tpu.memory_space<vmem>>, vector<16xf32>,
        %add3A_344 = arith.addf %add3A_336, %get3A_343 : vector<16xf32>
        %mul3A_345 = arith.mulf %get3A_343, %get3A_343 : vector<16xf32>
        %add3A_346 = arith.addf %add3A_338, %mul3A_345 : vector<16xf32>
        %add3A_347 = arith.constant 10 : i32
        %add3A_348 = arith.addi %mul3A_271, %add3A_347 : i32
        %get3A_349 = arith.index_cast %add3A_348 : i32 to index
        %get3A_350 = arith.constant 0 : index
        %get3A_351 = tpu.vector_load %arg8[%get3A_349, %get3A_350] {strides = array<i32>} : memref<1664x16xf32, #tpu.memory_space<vmem>>, vector<16xf32>,
        %add3A_352 = arith.addf %add3A_344, %get3A_351 : vector<16xf32>
        %mul3A_353 = arith.mulf %get3A_351, %get3A_351 : vector<16xf32>
        %add3A_354 = arith.addf %add3A_346, %mul3A_353 : vector<16xf32>
        %add3A_355 = arith.constant 11 : i32
        %add3A_356 = arith.addi %mul3A_271, %add3A_355 : i32
        %get3A_357 = arith.index_cast %add3A_356 : i32 to index
        %get3A_358 = arith.constant 0 : index
        %get3A_359 = tpu.vector_load %arg8[%get3A_357, %get3A_358] {strides = array<i32>} : memref<1664x16xf32, #tpu.memory_space<vmem>>, vector<16xf32>,
        %add3A_360 = arith.addf %add3A_352, %get3A_359 : vector<16xf32>
        %mul3A_361 = arith.mulf %get3A_359, %get3A_359 : vector<16xf32>
        %add3A_362 = arith.addf %add3A_354, %mul3A_361 : vector<16xf32>
        %add3A_363 = arith.constant 12 : i32
        %add3A_364 = arith.addi %mul3A_271, %add3A_363 : i32
        %get3A_365 = arith.index_cast %add3A_364 : i32 to index
        %get3A_366 = arith.constant 0 : index
        %get3A_367 = tpu.vector_load %arg8[%get3A_365, %get3A_366] {strides = array<i32>} : memref<1664x16xf32, #tpu.memory_space<vmem>>, vector<16xf32>,
        %add3A_368 = arith.addf %add3A_360, %get3A_367 : vector<16xf32>
        %mul3A_369 = arith.mulf %get3A_367, %get3A_367 : vector<16xf32>
        %add3A_370 = arith.addf %add3A_362, %mul3A_369 : vector<16xf32>
        %add3A_371 = arith.constant 13 : i32
        %add3A_372 = arith.addi %mul3A_271, %add3A_371 : i32
        %get3A_373 = arith.index_cast %add3A_372 : i32 to index
        %get3A_374 = arith.constant 0 : index
        %get3A_375 = tpu.vector_load %arg8[%get3A_373, %get3A_374] {strides = array<i32>} : memref<1664x16xf32, #tpu.memory_space<vmem>>, vector<16xf32>,
        %add3A_376 = arith.addf %add3A_368, %get3A_375 : vector<16xf32>
        %mul3A_377 = arith.mulf %get3A_375, %get3A_375 : vector<16xf32>
        %add3A_378 = arith.addf %add3A_370, %mul3A_377 : vector<16xf32>
        %add3A_379 = arith.constant 14 : i32
        %add3A_380 = arith.addi %mul3A_271, %add3A_379 : i32
        %get3A_381 = arith.index_cast %add3A_380 : i32 to index
        %get3A_382 = arith.constant 0 : index
        %get3A_383 = tpu.vector_load %arg8[%get3A_381, %get3A_382] {strides = array<i32>} : memref<1664x16xf32, #tpu.memory_space<vmem>>, vector<16xf32>,
        %add3A_384 = arith.addf %add3A_376, %get3A_383 : vector<16xf32>
        %mul3A_385 = arith.mulf %get3A_383, %get3A_383 : vector<16xf32>
        %add3A_386 = arith.addf %add3A_378, %mul3A_385 : vector<16xf32>
        %add3A_387 = arith.constant 15 : i32
        %add3A_388 = arith.addi %mul3A_271, %add3A_387 : i32
        %get3A_389 = arith.index_cast %add3A_388 : i32 to index
        %get3A_390 = arith.constant 0 : index
        %get3A_391 = tpu.vector_load %arg8[%get3A_389, %get3A_390] {strides = array<i32>} : memref<1664x16xf32, #tpu.memory_space<vmem>>, vector<16xf32>,
        %add3A_392 = arith.addf %add3A_384, %get3A_391 : vector<16xf32>
        %mul3A_393 = arith.mulf %get3A_391, %get3A_391 : vector<16xf32>
        %add3A_394 = arith.addf %add3A_386, %mul3A_393 : vector<16xf32>
        %add3A_395 = arith.constant 16 : i32
        %add3A_396 = arith.addi %mul3A_271, %add3A_395 : i32
        %get3A_397 = arith.index_cast %add3A_396 : i32 to index
        %get3A_398 = arith.constant 0 : index
        %get3A_399 = tpu.vector_load %arg8[%get3A_397, %get3A_398] {strides = array<i32>} : memref<1664x16xf32, #tpu.memory_space<vmem>>, vector<16xf32>,
        %add3A_400 = arith.addf %add3A_392, %get3A_399 : vector<16xf32>
        %mul3A_401 = arith.mulf %get3A_399, %get3A_399 : vector<16xf32>
        %add3A_402 = arith.addf %add3A_394, %mul3A_401 : vector<16xf32>
        %add3A_403 = arith.constant 17 : i32
        %add3A_404 = arith.addi %mul3A_271, %add3A_403 : i32
        %get3A_405 = arith.index_cast %add3A_404 : i32 to index
        %get3A_406 = arith.constant 0 : index
        %get3A_407 = tpu.vector_load %arg8[%get3A_405, %get3A_406] {strides = array<i32>} : memref<1664x16xf32, #tpu.memory_space<vmem>>, vector<16xf32>,
        %add3A_408 = arith.addf %add3A_400, %get3A_407 : vector<16xf32>
        %mul3A_409 = arith.mulf %get3A_407, %get3A_407 : vector<16xf32>
        %add3A_410 = arith.addf %add3A_402, %mul3A_409 : vector<16xf32>
        %add3A_411 = arith.constant 18 : i32
        %add3A_412 = arith.addi %mul3A_271, %add3A_411 : i32
        %get3A_413 = arith.index_cast %add3A_412 : i32 to index
        %get3A_414 = arith.constant 0 : index
        %get3A_415 = tpu.vector_load %arg8[%get3A_413, %get3A_414] {strides = array<i32>} : memref<1664x16xf32, #tpu.memory_space<vmem>>, vector<16xf32>,
        %add3A_416 = arith.addf %add3A_408, %get3A_415 : vector<16xf32>
        %mul3A_417 = arith.mulf %get3A_415, %get3A_415 : vector<16xf32>
        %add3A_418 = arith.addf %add3A_410, %mul3A_417 : vector<16xf32>
        %add3A_419 = arith.constant 19 : i32
        %add3A_420 = arith.addi %mul3A_271, %add3A_419 : i32
        %get3A_421 = arith.index_cast %add3A_420 : i32 to index
        %get3A_422 = arith.constant 0 : index
        %get3A_423 = tpu.vector_load %arg8[%get3A_421, %get3A_422] {strides = array<i32>} : memref<1664x16xf32, #tpu.memory_space<vmem>>, vector<16xf32>,
        %add3A_424 = arith.addf %add3A_416, %get3A_423 : vector<16xf32>
        %mul3A_425 = arith.mulf %get3A_423, %get3A_423 : vector<16xf32>
        %add3A_426 = arith.addf %add3A_418, %mul3A_425 : vector<16xf32>
        %add3A_427 = arith.constant 20 : i32
        %add3A_428 = arith.addi %mul3A_271, %add3A_427 : i32
        %get3A_429 = arith.index_cast %add3A_428 : i32 to index
        %get3A_430 = arith.constant 0 : index
        %get3A_431 = tpu.vector_load %arg8[%get3A_429, %get3A_430] {strides = array<i32>} : memref<1664x16xf32, #tpu.memory_space<vmem>>, vector<16xf32>,
        %add3A_432 = arith.addf %add3A_424, %get3A_431 : vector<16xf32>
        %mul3A_433 = arith.mulf %get3A_431, %get3A_431 : vector<16xf32>
        %add3A_434 = arith.addf %add3A_426, %mul3A_433 : vector<16xf32>
        %add3A_435 = arith.constant 21 : i32
        %add3A_436 = arith.addi %mul3A_271, %add3A_435 : i32
        %get3A_437 = arith.index_cast %add3A_436 : i32 to index
        %get3A_438 = arith.constant 0 : index
        %get3A_439 = tpu.vector_load %arg8[%get3A_437, %get3A_438] {strides = array<i32>} : memref<1664x16xf32, #tpu.memory_space<vmem>>, vector<16xf32>,
        %add3A_440 = arith.addf %add3A_432, %get3A_439 : vector<16xf32>
        %mul3A_441 = arith.mulf %get3A_439, %get3A_439 : vector<16xf32>
        %add3A_442 = arith.addf %add3A_434, %mul3A_441 : vector<16xf32>
        %add3A_443 = arith.constant 22 : i32
        %add3A_444 = arith.addi %mul3A_271, %add3A_443 : i32
        %get3A_445 = arith.index_cast %add3A_444 : i32 to index
        %get3A_446 = arith.constant 0 : index
        %get3A_447 = tpu.vector_load %arg8[%get3A_445, %get3A_446] {strides = array<i32>} : memref<1664x16xf32, #tpu.memory_space<vmem>>, vector<16xf32>,
        %add3A_448 = arith.addf %add3A_440, %get3A_447 : vector<16xf32>
        %mul3A_449 = arith.mulf %get3A_447, %get3A_447 : vector<16xf32>
        %add3A_450 = arith.addf %add3A_442, %mul3A_449 : vector<16xf32>
        %add3A_451 = arith.constant 23 : i32
        %add3A_452 = arith.addi %mul3A_271, %add3A_451 : i32
        %get3A_453 = arith.index_cast %add3A_452 : i32 to index
        %get3A_454 = arith.constant 0 : index
        %get3A_455 = tpu.vector_load %arg8[%get3A_453, %get3A_454] {strides = array<i32>} : memref<1664x16xf32, #tpu.memory_space<vmem>>, vector<16xf32>,
        %add3A_456 = arith.addf %add3A_448, %get3A_455 : vector<16xf32>
        %mul3A_457 = arith.mulf %get3A_455, %get3A_455 : vector<16xf32>
        %add3A_458 = arith.addf %add3A_450, %mul3A_457 : vector<16xf32>
        %add3A_459 = arith.constant 24 : i32
        %add3A_460 = arith.addi %mul3A_271, %add3A_459 : i32
        %get3A_461 = arith.index_cast %add3A_460 : i32 to index
        %get3A_462 = arith.constant 0 : index
        %get3A_463 = tpu.vector_load %arg8[%get3A_461, %get3A_462] {strides = array<i32>} : memref<1664x16xf32, #tpu.memory_space<vmem>>, vector<16xf32>,
        %add3A_464 = arith.addf %add3A_456, %get3A_463 : vector<16xf32>
        %mul3A_465 = arith.mulf %get3A_463, %get3A_463 : vector<16xf32>
        %add3A_466 = arith.addf %add3A_458, %mul3A_465 : vector<16xf32>
        %add3A_467 = arith.constant 25 : i32
        %add3A_468 = arith.addi %mul3A_271, %add3A_467 : i32
        %get3A_469 = arith.index_cast %add3A_468 : i32 to index
        %get3A_470 = arith.constant 0 : index
        %get3A_471 = tpu.vector_load %arg8[%get3A_469, %get3A_470] {strides = array<i32>} : memref<1664x16xf32, #tpu.memory_space<vmem>>, vector<16xf32>,
        %add3A_472 = arith.addf %add3A_464, %get3A_471 : vector<16xf32>
        %mul3A_473 = arith.mulf %get3A_471, %get3A_471 : vector<16xf32>
        %add3A_474 = arith.addf %add3A_466, %mul3A_473 : vector<16xf32>
        %get3A_475 = arith.index_cast %mul3A_271 : i32 to index
        %get3A_476 = tpu.vector_load %arg9[%get3A_475] {strides = array<i32>} : memref<1664xf32, #tpu.memory_space<vmem>>, vector<16xf32>,
        %add3A_477 = arith.constant 26 : i32
        %add3A_478 = arith.addi %mul3A_271, %add3A_477 : i32
        %sub3A = arith.constant 16 : i32
        %sub3A_479 = arith.subi %add3A_478, %sub3A : i32
        %get3A_480 = arith.index_cast %sub3A_479 : i32 to index
        %get3A_481 = tpu.vector_load %arg9[%get3A_480] {strides = array<i32>} : memref<1664xf32, #tpu.memory_space<vmem>>, vector<16xf32>,
        %mul3A_482 = arith.mulf %add3A_472, %add3A_472 : vector<16xf32>
        %sub3A_483 = arith.subf %mul3A_482, %add3A_474 : vector<16xf32>
        %mul3A_484 = arith.constant 5.000000e-01 : f32
        %mul3A_485 = vector.broadcast %mul3A_484 : f32 to vector<16xf32>
        %mul3A_486 = arith.mulf %mul3A_485, %sub3A_483 : vector<16xf32>
        %add3A_487 = arith.addf %mul3A_486, %get3A_476 : vector<16xf32>
        %ge3A = arith.constant 6 : i32
        %ge3A_488 = vector.broadcast %ge3A : i32 to vector<16xi32>
        %ge3A_489 = arith.cmpi sge, %iota3A, %ge3A_488 : vector<16xi32>
        %jit3A = arith.constant 0.000000e+00 : f32
        %broadcast_in_dim3A = vector.broadcast %jit3A : f32 to vector<16xf32>
        %select_n3A = arith.select %ge3A_489, %get3A_481, %broadcast_in_dim3A : vector<16xi1>, vector<16xf32>
        %add3A_490 = arith.addf %add3A_487, %select_n3A : vector<16xf32>
        %broadcast_in_dim3A_491 = arith.constant true
        %broadcast_in_dim3A_492 = vector.broadcast %broadcast_in_dim3A_491 : i1 to vector<16xi1>
        %masked_cumsum3A = tpu.scan <sum>, %add3A_490 masked %broadcast_in_dim3A_492 : vector<16xf32>, vector<16xi1> -> vector<16xf32>
        %mul3A_493 = arith.constant 64 : i32
        %mul3A_494 = arith.muli %scan3A_18, %mul3A_493 : i32
        %add3A_495 = arith.addi %mul3A_494, %scan3A_269 : i32
        %broadcast_in_dim3A_496 = vector.broadcast %add3A_495 : i32 to vector<16xi32>
        tpu.vector_store_idx %arg10[%broadcast_in_dim3A_496], %masked_cumsum3A masked %eq3A_4 : memref<512xf32, #tpu.memory_space<vmem>>[vector<16xi32>], vector<16xf32>, vector<16xi1>
      }
      %scan3A_268 = arith.constant 64 : i32
    }
    %scan3A_9 = arith.constant 8 : i32
    %scan3A_10 = arith.constant 0 : i32
    %scan3A_11 = arith.constant 0 : i32
    %scan3A_12 = arith.constant 32 : i32
    %scan3A_13 = arith.addi %scan3A_11, %scan3A_12 : i32
    %scan3A_14 = arith.constant 1 : i32
    scf.for %scan3A_18 = %scan3A_11 to %scan3A_13 step %scan3A_14  : i32 {
      %mul3A_19 = arith.constant 16 : i32
      %mul3A_20 = arith.muli %scan3A_18, %mul3A_19 : i32
      %get3A = arith.index_cast %mul3A_20 : i32 to index
      %get3A_21 = tpu.vector_load %arg10[%get3A] {strides = array<i32>} : memref<512xf32, #tpu.memory_space<vmem>>, vector<16xf32>,
      %get3A_22 = arith.constant 0 : index
      %get3A_23 = tpu.vector_load %arg11[%get3A_22] {strides = array<i32>} : memref<16xf32, #tpu.memory_space<vmem>>, vector<16xf32>,
      %add3A_24 = arith.addf %get3A_21, %get3A_23 : vector<16xf32>
      %neg3A = arith.constant 0.000000e+00 : f32
      %neg3A_25 = vector.broadcast %neg3A : f32 to vector<16xf32>
      %neg3A_26 = arith.subf %neg3A_25, %add3A_24 : vector<16xf32>
      %exp3A = math.exp %neg3A_26 : vector<16xf32>
      %add3A_27 = arith.constant 1.000000e+00 : f32
      %add3A_28 = vector.broadcast %add3A_27 : f32 to vector<16xf32>
      %add3A_29 = arith.addf %add3A_28, %exp3A : vector<16xf32>
      %div3A = arith.constant 1.000000e+00 : f32
      %div3A_30 = vector.broadcast %div3A : f32 to vector<16xf32>
      %div3A_31 = arith.divf %div3A_30, %add3A_29 : vector<16xf32>
      %mul3A_32 = arith.constant 16 : i32
      %mul3A_33 = arith.muli %scan3A_18, %mul3A_32 : i32
      %swap3A = arith.index_cast %mul3A_33 : i32 to index
      %swap3A_34 = tpu.vector_load %arg10[%swap3A] {strides = array<i32>} : memref<512xf32, #tpu.memory_space<vmem>>, vector<16xf32>,
      tpu.vector_store %arg10[%swap3A], %div3A_31 {strides = array<i32>} : memref<512xf32, #tpu.memory_space<vmem>>, vector<16xf32>,
    }
    %scan3A_15 = arith.constant 32 : i32
    %mul3A_16 = arith.constant 512 : i32
    %mul3A_17 = arith.muli %add3A, %mul3A_16 : i32
    "tpu.region"() ({
      %run_scoped3A = tpu.sem_alloc : memref<!tpu.dma_semaphore, #tpu.memory_space<semaphore_mem>>
      %dma_start3A = tpu.memref_slice %arg6[%mul3A_17] : memref<16384xf32, #tpu.memory_space<hbm>> -> memref<512xf32, #tpu.memory_space<hbm>>
      %dma_start3A_18 = tpu.memref_slice %arg6[%mul3A_17] : memref<16384xf32, #tpu.memory_space<hbm>> -> memref<512xf32, #tpu.memory_space<hbm>>
      tpu.enqueue_dma source(%arg10 : memref<512xf32, #tpu.memory_space<vmem>>) target(%dma_start3A_18 : memref<512xf32, #tpu.memory_space<hbm>>) target_semaphore(%run_scoped3A : memref<!tpu.dma_semaphore, #tpu.memory_space<semaphore_mem>>)
      %dma_wait3A = tpu.memref_slice %arg6[%mul3A_17] : memref<16384xf32, #tpu.memory_space<hbm>> -> memref<512xf32, #tpu.memory_space<hbm>>
      %dma_wait3A_19 = tpu.memref_slice %arg6[%mul3A_17] : memref<16384xf32, #tpu.memory_space<hbm>> -> memref<512xf32, #tpu.memory_space<hbm>>
      tpu.wait_dma2 semaphore(%run_scoped3A : memref<!tpu.dma_semaphore, #tpu.memory_space<semaphore_mem>>) src(%arg10 : memref<512xf32, #tpu.memory_space<vmem>>) dst(%dma_wait3A_19 : memref<512xf32, #tpu.memory_space<hbm>>)
      tpu.yield
    }) : () -> ()
    return
  }
}

</mosaic_0001>

<sc_bundles>
// kernel: kernel.4.cloned.1.call-start
scs
__scs_entry_jumppad:
0x0: {  	(pc) =	sbr.rel $0x88, $3  }
0x1: {  	(tag) =	ssettag $0x0;
	lr =	simm.s32 $0x1  }
0x2: {  	[smem:$0x3F9D] =	sst lr;
	_ =	strace $0xD0000000  }
0x3: {  	_ = 	snop  }
0x4: {  	_ = 	snop  }
0x5: {  	_ = 	snop  }
0x6: {  	_ = 	snop  }
0x7: {  	_ = 	snop  }
__scs_overlays_trampoline_lowered:
0x8: {  	[smem:$0x3FAC] =	sst s0  }
0x9: {  	[smem:$0x3FAD] =	sst s1  }
0xa: {  	[smem:$0x3FAE] =	sst s2  }
0xb: {  	[smem:$0x3FAF] =	sst s3  }
0xc: {  	[smem:$0x3FB0] =	sst s4  }
0xd: {  	[smem:$0x3FB1] =	sst s5  }
0xe: {  	[smem:$0x3FB2] =	sst s6  }
0xf: {  	[smem:$0x3FB3] =	sst s7  }
0x10: {  	[smem:$0x3FB4] =	sst s8  }
0x11: {  	[smem:$0x3FB5] =	sst s9;
	s0 =	simm.s32 @!p0 $0x0  }
0x12: {  	s1 =	sld [smem:$0x3F9B];
	s0 =	simm.s32 @p0 $0x1  }
0x13: {  	[smem:$0x3FB6] =	sst s0;
	s0 =	simm.s32 @!p1 $0x0  }
0x14: {  	s2 =	sld [smem:$0x3F9A];
	s0 =	simm.s32 @p1 $0x1  }
0x15: {  	[smem:$0x3FB7] =	sst s0;
	s0 =	simm.s32 @!p2 $0x0  }
0x16: {  	s3 =	sld [smem:$0x3FDB];
	s0 =	simm.s32 @p2 $0x1  }
0x17: {  	s4 =	simm.s32 $0x1BF5;
	[smem:$0x3FB9] =	sst s0  }
0x18: {  	s0 =	sld [smem:$0x3F9C];
	_ =	swait.ge [sflag:s4], $0x0  }
0x19: {  	s7 =	sld [smem:$0x3F9D]  }
0x1a: {  	s8 =	sadd.s32 $0xFFFFE003, lr  }
0x1b: {  	s9 =	sadd.s32 $0xFFFFFEF7, lr;
	s5 =	simm.s32 $0xFFFFFFFF;
	p2 =	slt.u32 s8, $0xFFFFF086  }
0x1c: {  	p1 =	slt.u32 s9, $0xF7A;
	s5 =	simm.s32 @!p2 $0x0  }
0x1d: {  	s5 =	simm.s32 @p1 $0x1;
	p0 =	seq.s32 s7, s2  }
0x1e: {  	s7 =	smul.u32 @!p0 $0xF7A, s2;
	p2 =	seq.s32 @!p0 s5, $0x0  }
0x1f: {  	s9 =	smul.u32 $0xF7A, s1;
	s8 =	simm.s32 @!p0 $0x1BF5;
	p2 =	por !p2, p0  }
0x20: {  	[sflag:s8] =	ssyncset.s32 @!p0 $0xFFFFF086;
	s6 =	sadd.s32 @!p0 s3, s7;
	s7 =	simm.s32 @!p0 $0x108  }
0x21: {  	s3 =	sadd.s32 s3, s9;
	s6 =	sadd.s32 @!p0 $0x88, s6;
	s7 =	simm.s32 @p2 $0x1082  }
0x22: {  	[simem:s7], [sflag:s8] =	dma.local @!p0 [hbm:s6], $0xF7A  }
0x23: {  	s9 =	sor.u32 $0xD0000000, s2;
	s6 =	simm.s32 $0x108;
	_ =	swait.ge @!p0 [sflag:s8], $0x0  }
0x24: {  	s3 =	sadd.s32 $0x88, s3;
	s6 =	simm.s32 @!p1 $0x1082;
	[sflag:s4] =	ssyncset.s32 $0xFFFFF086  }
0x25: {  	[simem:s6], [sflag:s4] =	dma.local [hbm:s3], $0xF7A  }
0x26: {  	[smem:$0x3F9D] =	sst s1;
	(tag) =	ssettag s2;
	_ =	strace s9  }
0x27: {  	s1 =	sld [smem:$0x3FAD]  }
0x28: {  	s2 =	sld [smem:$0x3FAE]  }
0x29: {  	s4 =	sld [smem:$0x3FB0]  }
0x2a: {  	p0 =	seq.s32 s5, $0x0;
	s5 =	sld [smem:$0x3FB1]  }
0x2b: {  	s6 =	sld [smem:$0x3FB2]  }
0x2c: {  	s7 =	sld [smem:$0x3FB3]  }
0x2d: {  	s3 =	simm.s32 $0x108;
	s8 =	sld [smem:$0x3FB4]  }
0x2e: {  	s3 =	simm.s32 @!p0 $0x1082;
	s9 =	sld [smem:$0x3FB5]  }
0x2f: {  	lr =	sadd.s32 s0, s3;
	s0 =	sld [smem:$0x3FAC]  }
0x30: {  	s3 =	sld [smem:$0x3FAF]  }
0x31: {  	[smem:$0x3FB8] =	sst s10  }
0x32: {  	s10 =	sld [smem:$0x3FB6];
	_ =	sdelay $0x3  }
0x33: {  	p0 =	seq.s32 s10, $0x1;
	s10 =	sld [smem:$0x3FB8];
	_ =	sdelay $0x3  }
0x34: {  	[smem:$0x3FB8] =	sst s10  }
0x35: {  	s10 =	sld [smem:$0x3FB7];
	_ =	sdelay $0x3  }
0x36: {  	p1 =	seq.s32 s10, $0x1;
	s10 =	sld [smem:$0x3FB8];
	_ =	sdelay $0x3  }
0x37: {  	[smem:$0x3FB8] =	sst s10  }
0x38: {  	s10 =	sld [smem:$0x3FB9]  }
0x39: {  	_ = 	snop;
	(pc) =	sbr.ind lr, $3  }
0x3a: {  	_ = 	snop  }
0x3b: {  	_ = 	snop  }
0x3c: {  	p2 =	seq.s32 s10, $0x1;
	s10 =	sld [smem:$0x3FB8]  }
0x3d: {  	_ =	shalt  }
0x3e: {  	_ =	shalt  }
0x3f: {  	_ =	shalt  }
0x40: {  	_ =	shalt  }
0x41: {  	_ =	shalt  }
0x42: {  	_ =	shalt  }
0x43: {  	_ =	shalt  }
0x44: {  	_ =	shalt  }
0x45: {  	_ =	shalt  }
0x46: {  	_ =	shalt  }
0x47: {  	_ =	shalt  }
0x48: {  	_ =	shalt  }
0x49: {  	_ =	shalt  }
0x4a: {  	_ =	shalt  }
0x4b: {  	_ =	shalt  }
0x4c: {  	_ =	shalt  }
0x4d: {  	_ =	shalt  }
0x4e: {  	_ =	shalt  }
0x4f: {  	_ =	shalt  }
0x50: {  	_ =	shalt  }
0x51: {  	_ =	shalt  }
0x52: {  	_ =	shalt  }
0x53: {  	_ =	shalt  }
0x54: {  	_ =	shalt  }
0x55: {  	_ =	shalt  }
0x56: {  	_ =	shalt  }
0x57: {  	_ =	shalt  }
0x58: {  	_ =	shalt  }
0x59: {  	_ =	shalt  }
0x5a: {  	_ =	shalt  }
0x5b: {  	_ =	shalt  }
0x5c: {  	_ =	shalt  }
0x5d: {  	_ =	shalt  }
0x5e: {  	_ =	shalt  }
0x5f: {  	_ =	shalt  }
0x60: {  	_ =	shalt  }
0x61: {  	_ =	shalt  }
0x62: {  	_ =	shalt  }
0x63: {  	_ =	shalt  }
0x64: {  	_ =	shalt  }
0x65: {  	_ =	shalt  }
0x66: {  	_ =	shalt  }
0x67: {  	_ =	shalt  }
0x68: {  	_ =	shalt  }
0x69: {  	_ =	shalt  }
0x6a: {  	_ =	shalt  }
0x6b: {  	_ =	shalt  }
0x6c: {  	_ =	shalt  }
0x6d: {  	_ =	shalt  }
0x6e: {  	_ =	shalt  }
0x6f: {  	_ =	shalt  }
0x70: {  	_ =	shalt  }
0x71: {  	_ =	shalt  }
0x72: {  	_ =	shalt  }
0x73: {  	_ =	shalt  }
0x74: {  	_ =	shalt  }
0x75: {  	_ =	shalt  }
0x76: {  	_ =	shalt  }
0x77: {  	_ =	shalt  }
0x78: {  	_ =	shalt  }
0x79: {  	_ =	shalt  }
0x7a: {  	_ =	shalt  }
0x7b: {  	_ =	shalt  }
0x7c: {  	_ =	shalt  }
0x7d: {  	_ =	shalt  }
0x7e: {  	_ =	shalt  }
0x7f: {  	_ =	shalt  }
0x80: {  	_ =	shalt  }
0x81: {  	_ =	shalt  }
0x82: {  	_ =	shalt  }
0x83: {  	_ =	shalt  }
0x84: {  	_ =	shalt  }
0x85: {  	_ =	shalt  }
0x86: {  	_ =	shalt  }
0x87: {  	_ =	shalt  }
.Lfunc_end0:
.L_simem_size_0:
called_computation_lowered:
.L_overlay_start_0:
0x88: {  	s2 =	sld [smem:$0x3FD9]  }
0x89: {  	s3 =	sld [smem:$0x3FFE];
	_ =	sdelay $0x1  }
0x8a: {  	s1 =	srdreg.scid  }
0x8b: {  	s0 =	sand.u32 $0x1, s1  }
0x8c: {  	s17 =	sshll.u32 s0, $0xA;
	s2 =	sadd.s32 s3, s2  }
0x8d: {  	s2 =	sadd.s32 s2, s17  }
0x8e: {  	[smem:$0x3FC4] =	sst s2  }
0x8f: {  	_ = 	snop  }
0x90: {  	s2 =	sld [smem:$0x3FC8]  }
0x91: {  	s18 =	sld [smem:$0x3FD0];
	(tm) =	ssettm $0x1  }
0x92: {  	s4 =	sld [smem:$0x3FFB];
	_ =	sdelay $0x3  }
0x93: {  	_ =	strace s4  }
0x94: {  	s4 =	sld [smem:$0x3FFC];
	_ =	sdelay $0x3  }
0x95: {  	_ =	strace s4  }
0x96: {  	s4 =	sld [smem:$0x3FFD];
	_ =	sdelay $0x3  }
0x97: {  	_ =	strace s4  }
0x98: {  	_ =	strace $0x8FFFFFFF  }
0x99: {  	s19 =	sld [smem:$0x3FDB];
	_ =	sdelay $0x1  }
0x9a: {  	s5 =	simm.s32 $_scs_section_size  }
0x9b: {  	s6 =	simm.s32 $_size__tile_overlayer_lowered;
	s7 =	simm.s32 $_tile_overlayer_lowered  }
0x9c: {  	s22 =	simm.s32 $0x1BFF;
	s21 =	sshll.u32 s7, $0x1;
	s4 =	sadd.s32 s5, s19  }
0x9d: {  	s8 =	simm.s32 $0x0;
	s20 =	sshll.u32 s6, $0x1;
	s6 =	sadd.s32 s21, s4  }
0x9e: {  	[timem:s8], [sflag:s22] =	dma.local [hbm:s6], s20  }
0x9f: {  	_ =	swait.ge [sflag:s22], s20  }
0xa0: {  	s5 =	ssub.s32 $0x0, s20;
	[sflag:s22] =	ssyncset.done $0x0  }
0xa1: {  	[sflag:s22] =	ssyncadd.s32 s5;
	_ =	sdelay $0x1  }
0xa2: {  	s23 =	simm.s32 $0x1B8B  }
0xa3: {  	_ =	swait.ge [sflag:s23], $0x1  }
0xa4: {  	[sflag:s23] =	ssyncset.done $0x0  }
0xa5: {  	s25 =	simm.s32 $0x1B8E;
	s24 =	sld [smem:$0x3FFE];
	[sflag:s23] =	ssyncadd.s32 $0xFFFFFFFF  }
0xa6: {  	s26 =	simm.s32 $execute0_lowered;
	[smem:$0x3FD2] =	sst s25  }
0xa7: {  	s6 =	sshll.u32 s26, $0x1;
	_ =	strace $0x80000046;
	[dreg:$0x1] =	wrdreg $0xFFFFFFFF  }
0xa8: {  	s28 =	simm.s32 $_size_execute0_lowered;
	s4 =	sadd.s32 s4, s6;
	[dreg:$0x0] =	wrdreg $0x0  }
0xa9: {  	s6 =	sshll.u32 s28, $0x1;
	[dreg:$0x2] =	wrdreg s4  }
0xaa: {  	[dreg:$0x3] =	wrdreg s6  }
0xab: {  	[dreg:$0x4] =	wrdreg $0xC0  }
0xac: {  	_ =	task [dreg:s8], $0x5FFFF  }
0xad: {  	[dreg:$0x1] =	wrdreg $0xFFFFFFFF  }
0xae: {  	[dreg:$0x0] =	wrdreg $0x60  }
0xaf: {  	[dreg:$0x2] =	wrdreg s2  }
0xb0: {  	[dreg:$0x3] =	wrdreg s18  }
0xb1: {  	[dreg:$0x4] =	wrdreg s24  }
0xb2: {  	[dreg:$0x5] =	wrdreg $0x9  }
0xb3: {  	_ =	task.clear_ibuf [dreg:s8], $0x6FFFF;
	_ =	strace $0x90000046  }
0xb4: {  	s29 =	simm.s32 $0x9;
	_ =	strace $0x80000048  }
0xb5: {  	_ =	swait.ge [sflag:s29], $0x1  }
0xb6: {  	[sflag:s29] =	ssyncadd.s32 $0xFFFFFFFF  }
0xb7: {  	_ =	strace $0x90000048  }
0xb8: {  	_ =	sfence  }
0xb9: {  	s30 =	sld [smem:$0x0];
	_ =	sdelay $0x2  }
0xba: {  	s31 =	sshll.u32 s1, $0xD;
	s1 =	sshrl.u32 s1, $0x2  }
0xbb: {  	s3 =	sand.u32 $0x4000, s31;
	s1 =	sadd.s32 s1, s30  }
0xbc: {  	s0 =	sor.u32 s3, s0;
	s1 =	sshll.u32 s1, $0x11  }
0xbd: {  	s0 =	sor.u32 s1, s0  }
0xbe: {  	s0 =	sadd.s32 $0x8F2B, s0  }
0xbf: {  	[sflag:s0] =	ssyncadd.remote.s32 $0x1  }
0xc0: {  	_ =	sfence.sel $0xFFFF  }
0xc1: {  	[dreg:$0x0] =	wrdreg $0xFFFFFFFF;
	(pc) =	sbr.abs _section_cstart, $3  }
0xc2: {  	[dreg:$0x1] =	wrdreg $0xFFFFFFFF  }
0xc3: {  	_ =	task.clear_ibuf [dreg:s8], $0x2FFFF;
	_ =	strace $0x9FFFFFFF  }
0xc4: {  	(tm) =	ssettm $0x7FFFFFFF  }
0xc5: {  	_ =	shalt  }
tec
execute0_lowered:
.L_overlay_start_1:
0x0: {  	(tag) =	ssettag $0x1  }
0x1: {  	v0 =	vimm.s32 $0x1380;
	vm0 =	vcmask $0x300  }
0x2: {  	vm14 =	vcmask $0x704;
	v0 =	vsel vm0, $0x0, v0  }
0x3: {  	vm15 =	vcmask $0xB08;
	v0 =	vsel vm14, $0x80, v0  }
0x4: {  	vm4 =	vcmask $0xF0C;
	v0 =	vsel vm15, $0x100, v0  }
0x5: {  	vm5 =	vcmask $0x1310;
	v0 =	vsel vm4, $0x180, v0  }
0x6: {  	vm6 =	vcmask $0x1714;
	s0 =	rddreg [dreg:$0x0];
	v0 =	vsel vm5, $0x200, v0  }
0x7: {  	vm7 =	vcmask $0x1B18;
	s1 =	rddreg [dreg:$0x1];
	v0 =	vsel vm6, $0x280, v0  }
0x8: {  	vm8 =	vcmask $0x1F1C;
	s7 =	rddreg [dreg:$0x2];
	v0 =	vsel vm7, $0x300, v0  }
0x9: {  	s4 =	srdreg.scid;
	vm9 =	vcmask $0x2320;
	s2 =	rddreg [dreg:$0x3];
	v0 =	vsel vm8, $0x380, v0  }
0xa: {  	s3 =	simm.s32 $0x0;
	vm10 =	vcmask $0x2724;
	s11 =	simm.s32 $0x2;
	s12 =	simm.s32 $0x2000;
	v0 =	vsel vm9, $0x1000, v0  }
0xb: {  	vm11 =	vcmask $0x2B28;
	s13 =	simm.s32 $0x1;
	s14 =	simm.s32 $0x0;
	[smem:$0x7FF] =	sst s3;
	v0 =	vsel vm10, $0x1080, v0  }
.Ltmp0:
0xc: {  	vm12 =	vcmask $0x2F2C;
	s6 =	sand.u32 $0x1, s4;
	s4 =	stileid.u32;
	v0 =	vsel vm11, $0x1100, v0;
	(pc) =	sbr.rel .LBB2_1-.Ltmp0, $4  }
0xd: {  	vm13 =	vcmask $0x3330;
	s5 =	sadd.s32 $0x1200, s7;
	s7 =	sadd.s32 $0x4F6A00, s7;
	s8 =	ssub.s32 $0x2, s6;
	v0 =	vsel vm12, $0x1180, v0  }
0xe: {  	_ =	strace $0x80000047;
	s10 =	sshll.u32 s4, $0x1;
	vm14 =	vcmask $0x3734;
	s9 =	sshrl.u32 s8, $0x1;
	v0 =	vsel vm13, $0x1200, v0  }
0xf: {  	s6 =	sor.u32 s6, s10;
	s10 =	simm.s32 $0x13D6400;
	vm15 =	vcmask $0x3B38;
	s8 =	ssub.s32 s8, s9;
	v0 =	vsel vm14, $0x1280, v0  }
0x10: {  	s9 =	simm.s32 $0x1000;
	p0 =	sne.s32 s6, $0x0;
	s8 =	smax.u32 s8, $0x1;
	v0 =	vsel vm15, $0x1300, v0  }
.LBB2_7:
0x11: {  	s15 =	simm.s32 @!p0 $0x0;
	s16 =	simm.s32 @!p0 $0x4000;
	s17 =	simm.s32 @!p0 $0x1  }
0x12: {  	[tilespmem:s16], [sflag:$0x1] =	stream.linear.gather @!p0 [hbm4b:s1+s15], $0x400, $0x38;
	[tilespmem:$0x4400] =	vst v63  }
0x13: {  	s14 =	sadd.s32 $0x1, s14;
	_ =	swait.ge @!p0 [sflag:s17], $0x400  }
0x14: {  	p1 =	sne.s32 s14, s8;
	[sflag:s17] =	ssyncset.done @!p0 $0x0  }
.Ltmp1:
0x15: {  	[sflag:s17] =	ssyncadd.s32 @!p0 $0xFFFFFC00;
	(pc) =	sbr.rel @!p1 .LBB2_8-.Ltmp1, $4  }
0x16: {  	[hbm4b:s7+s15] =	stream.linear.scatter @!p0 [tilespmem:s16], [sflag:$0x1], $0x400, $0x38;
	[tilespmem:$0x4400] =	vst v63  }
0x17: {  	_ =	swait.ge @!p0 [sflag:s17], $0x400  }
0x18: {  	[sflag:s17] =	ssyncset.done @!p0 $0x0  }
0x19: {  	[sflag:s17] =	ssyncadd.s32 @!p0 $0xFFFFFC00  }
.LBB2_1:
.Ltmp2:
0x1a: {  	(pc) =	sbr.rel .LBB2_2-.Ltmp2, $2  }
0x1b: {  	_ =	sdelay $0x2  }
0x1c: {  	s15 =	simm.s32 $0x0  }
.LBB2_6:
0x1d: {  	s15 =	sadd.s32 $0x1, s15  }
0x1e: {  	p1 =	sne.s32 s15, $0x9F  }
.Ltmp3:
0x1f: {  	_ = 	snop;
	(pc) =	sbr.rel @!p1 .LBB2_7-.Ltmp3, $1  }
0x20: {  	_ =	sdelay $0x3  }
.LBB2_2:
0x21: {  	s16 =	sshll.u32 s15, $0x5  }
0x22: {  	s16 =	sor.u32 s6, s16  }
0x23: {  	p1 =	sgt.u32 s16, $0x13D5  }
.Ltmp4:
0x24: {  	_ = 	snop;
	(pc) =	sbr.rel @p1 .LBB2_6-.Ltmp4, $1  }
0x25: {  	_ =	sdelay $0x3  }
0x26: {  	s17 =	simm.s32 $0x0  }
0x27: {  	v1 =	vmov s17  }
0x28: {  	v2 =	vshll.u32 v1, $0x3  }
0x29: {  	v1 =	vand.u32 $0x78, v1;
	v2 =	vand.u32 $0xC00, v2  }
0x2a: {  	s24 =	sshll.u32 s16, $0x9;
	v1 =	vor.u32 v2, v1  }
0x2b: {  	s25 =	simm.s32 $0x1;
	s17 =	sadd.s32 s0, s24;
	v1 =	vor.u32 v0, v1  }
0x2c: {  	[tilespmem:s3], [sflag:$0x2] =	stream.strided.gather [hbm4b:s17+s9], $0x2000, s10, s9, $0x38;
	[tilespmem:$0x4400] =	vst v63  }
0x2d: {  	_ =	swait.ge [sflag:s11], $0x2000;
	v2 =	vmov s25  }
0x2e: {  	[sflag:s11] =	ssyncset.done $0x0;
	v3 =	vshll.u32 v2, $0x3  }
0x2f: {  	[sflag:s11] =	ssyncadd.s32 $0xFFFFE000;
	v2 =	vand.u32 $0x79, v2;
	v3 =	vand.u32 $0xC00, v3  }
0x30: {  	v2 =	vor.u32 v3, v2;
	v1 =	vld.idx.msk [tilespmem:v1+s3+$0x0], $0xffff  }
0x31: {  	v2 =	vor.u32 v0, v2  }
0x32: {  	s26 =	simm.s32 $0x2  }
0x33: {  	v3 =	vmov s26  }
0x34: {  	s17 =	simm.s32 $0x2040;
	v4 =	vshll.u32 v3, $0x3  }
0x35: {  	[tilespmem:s17+$0xFFFFFFC0] =	vst v1;
	v1 =	vand.u32 $0x7A, v3;
	v3 =	vand.u32 $0xC00, v4  }
0x36: {  	v2 =	vld.idx.msk [tilespmem:v2+s3+$0x0], $0xffff;
	v1 =	vor.u32 v3, v1  }
0x37: {  	v1 =	vor.u32 v0, v1  }
0x38: {  	s18 =	simm.s32 $0x3  }
0x39: {  	v3 =	vmov s18  }
0x3a: {  	v59 =	vshll.u32 v3, $0x3  }
0x3b: {  	[tilespmem:s17+$0xFFFFFFD0] =	vst v2;
	v2 =	vand.u32 $0x7B, v3;
	v3 =	vand.u32 $0xC00, v59  }
0x3c: {  	v1 =	vld.idx.msk [tilespmem:v1+s3+$0x0], $0xffff;
	v2 =	vor.u32 v3, v2  }
0x3d: {  	v2 =	vor.u32 v0, v2  }
0x3e: {  	s28 =	simm.s32 $0x4  }
0x3f: {  	v3 =	vmov s28  }
0x40: {  	v60 =	vshll.u32 v3, $0x3  }
0x41: {  	[tilespmem:s17+$0xFFFFFFE0] =	vst v1;
	v1 =	vand.u32 $0x7C, v3;
	v3 =	vand.u32 $0xC00, v60  }
0x42: {  	v2 =	vld.idx.msk [tilespmem:v2+s3+$0x0], $0xffff;
	v1 =	vor.u32 v3, v1  }
0x43: {  	v1 =	vor.u32 v0, v1  }
0x44: {  	s29 =	simm.s32 $0x5  }
0x45: {  	v3 =	vmov s29  }
0x46: {  	v61 =	vshll.u32 v3, $0x3  }
0x47: {  	[tilespmem:s17+$0xFFFFFFF0] =	vst v2;
	v2 =	vand.u32 $0x7D, v3;
	v3 =	vand.u32 $0xC00, v61  }
0x48: {  	v1 =	vld.idx.msk [tilespmem:v1+s3+$0x0], $0xffff;
	v2 =	vor.u32 v3, v2  }
0x49: {  	v2 =	vor.u32 v0, v2  }
0x4a: {  	s30 =	simm.s32 $0x6  }
0x4b: {  	v3 =	vmov s30  }
0x4c: {  	v62 =	vshll.u32 v3, $0x3  }
0x4d: {  	[tilespmem:s17+$0x0] =	vst v1;
	v1 =	vand.u32 $0x7E, v3;
	v3 =	vand.u32 $0xC00, v62  }
0x4e: {  	v2 =	vld.idx.msk [tilespmem:v2+s3+$0x0], $0xffff;
	v1 =	vor.u32 v3, v1  }
0x4f: {  	v1 =	vor.u32 v0, v1  }
0x50: {  	s31 =	simm.s32 $0x7  }
0x51: {  	v3 =	vmov s31  }
0x52: {  	v63 =	vshll.u32 v3, $0x3  }
0x53: {  	v3 =	vand.u32 $0x7F, v3;
	v4 =	vand.u32 $0xC00, v63;
	[tilespmem:s17+$0x10] =	vst v2  }
0x54: {  	v2 =	vor.u32 v4, v3;
	v1 =	vld.idx.msk [tilespmem:v1+s3+$0x0], $0xffff  }
0x55: {  	v2 =	vor.u32 v0, v2;
	_ =	sdelay $0x1  }
0x56: {  	s20 =	simm.s32 $0x8;
	s19 =	simm.s32 $0x17;
	s18 =	simm.s32 $0xF  }
.LBB2_4:
0x57: {  	p1 =	sne.s32 s19, $0x1FF;
	v3 =	vmov s20  }
0x58: {  	v4 =	vshll.u32 v3, $0x3;
	[tilespmem:s17+$0x20] =	vst v1  }
0x59: {  	v1 =	vand.u32 $0x78, v3;
	v3 =	vand.u32 $0xC00, v4;
	v2 =	vld.idx.msk [tilespmem:v2+s3+$0x0], $0xffff  }
0x5a: {  	v1 =	vor.u32 v3, v1  }
0x5b: {  	v1 =	vor.u32 v0, v1;
	_ =	sdelay $0x1  }
0x5c: {  	s20 =	sadd.s32 $0xFFFFFFFA, s18  }
0x5d: {  	v3 =	vmov s20  }
0x5e: {  	v4 =	vshll.u32 v3, $0x3;
	[tilespmem:s17+$0x30] =	vst v2  }
0x5f: {  	v2 =	vand.u32 $0x79, v3;
	v3 =	vand.u32 $0xC00, v4;
	v1 =	vld.idx.msk [tilespmem:v1+s3+$0x0], $0xffff  }
0x60: {  	v2 =	vor.u32 v3, v2  }
0x61: {  	v2 =	vor.u32 v0, v2;
	_ =	sdelay $0x1  }
0x62: {  	s20 =	sadd.s32 $0xFFFFFFFB, s18  }
0x63: {  	s17 =	sadd.s32 $0x80, s17;
	v3 =	vmov s20  }
0x64: {  	[tilespmem:s17+$0xFFFFFFC0] =	vst v1;
	v1 =	vshll.u32 v3, $0x3  }
0x65: {  	v3 =	vand.u32 $0x7A, v3;
	v2 =	vld.idx.msk [tilespmem:v2+s3+$0x0], $0xffff;
	v1 =	vand.u32 $0xC00, v1  }
0x66: {  	v1 =	vor.u32 v1, v3  }
0x67: {  	v1 =	vor.u32 v0, v1;
	_ =	sdelay $0x1  }
0x68: {  	s20 =	sadd.s32 $0xFFFFFFFC, s18  }
0x69: {  	v3 =	vmov s20  }
0x6a: {  	[tilespmem:s17+$0xFFFFFFD0] =	vst v2;
	v2 =	vshll.u32 v3, $0x3  }
0x6b: {  	v3 =	vand.u32 $0x7B, v3;
	v1 =	vld.idx.msk [tilespmem:v1+s3+$0x0], $0xffff;
	v2 =	vand.u32 $0xC00, v2  }
0x6c: {  	v2 =	vor.u32 v2, v3  }
0x6d: {  	v2 =	vor.u32 v0, v2;
	_ =	sdelay $0x1  }
0x6e: {  	s20 =	sadd.s32 $0xFFFFFFFD, s18  }
0x6f: {  	v3 =	vmov s20  }
0x70: {  	[tilespmem:s17+$0xFFFFFFE0] =	vst v1;
	v1 =	vshll.u32 v3, $0x3  }
0x71: {  	v3 =	vand.u32 $0x7C, v3;
	v2 =	vld.idx.msk [tilespmem:v2+s3+$0x0], $0xffff;
	v1 =	vand.u32 $0xC00, v1  }
0x72: {  	v1 =	vor.u32 v1, v3  }
0x73: {  	v1 =	vor.u32 v0, v1;
	_ =	sdelay $0x1  }
0x74: {  	s20 =	sadd.s32 $0xFFFFFFFE, s18  }
0x75: {  	v3 =	vmov s20  }
0x76: {  	[tilespmem:s17+$0xFFFFFFF0] =	vst v2;
	v2 =	vshll.u32 v3, $0x3  }
0x77: {  	v3 =	vand.u32 $0x7D, v3;
	v1 =	vld.idx.msk [tilespmem:v1+s3+$0x0], $0xffff;
	v2 =	vand.u32 $0xC00, v2  }
0x78: {  	v2 =	vor.u32 v2, v3  }
0x79: {  	v2 =	vor.u32 v0, v2;
	_ =	sdelay $0x1  }
0x7a: {  	s20 =	sadd.s32 $0xFFFFFFFF, s18  }
0x7b: {  	v3 =	vmov s20  }
0x7c: {  	[tilespmem:s17+$0x0] =	vst v1;
	v1 =	vshll.u32 v3, $0x3  }
0x7d: {  	v3 =	vand.u32 $0x7E, v3;
	v2 =	vld.idx.msk [tilespmem:v2+s3+$0x0], $0xffff;
	v1 =	vand.u32 $0xC00, v1  }
0x7e: {  	v1 =	vor.u32 v1, v3  }
0x7f: {  	v1 =	vor.u32 v0, v1;
	_ =	sdelay $0x2  }
0x80: {  	v3 =	vmov s18;
	s18 =	smov.u32 s19  }
0x81: {  	[tilespmem:s17+$0x10] =	vst v2;
	v2 =	vshll.u32 v3, $0x3  }
.Ltmp5:
0x82: {  	v3 =	vand.u32 $0x7F, v3;
	v1 =	vld.idx.msk [tilespmem:v1+s3+$0x0], $0xffff;
	v2 =	vand.u32 $0xC00, v2;
	(pc) =	sbr.rel @p1 .LBB2_4-.Ltmp5, $3  }
0x83: {  	v2 =	vor.u32 v2, v3  }
0x84: {  	v2 =	vor.u32 v0, v2;
	_ =	sdelay $0x1  }
0x85: {  	s19 =	sadd.s32 $0x8, s19;
	s20 =	sadd.s32 $0xFFFFFFF9, s18  }
0x86: {  	_ = 	snop  }
0x87: {  	v3 =	vmov s20  }
0x88: {  	v4 =	vshll.u32 v3, $0x3  }
0x89: {  	[tilespmem:s17+$0x20] =	vst v1;
	v1 =	vand.u32 $0x78, v3;
	v3 =	vand.u32 $0xC00, v4  }
0x8a: {  	v2 =	vld.idx.msk [tilespmem:v2+s3+$0x0], $0xffff;
	v1 =	vor.u32 v3, v1  }
0x8b: {  	v1 =	vor.u32 v0, v1  }
0x8c: {  	s19 =	sadd.s32 $0xFFFFFFFA, s18  }
0x8d: {  	v3 =	vmov s19  }
0x8e: {  	v57 =	vshll.u32 v3, $0x3  }
0x8f: {  	[tilespmem:s17+$0x30] =	vst v2;
	v2 =	vand.u32 $0x79, v3;
	v3 =	vand.u32 $0xC00, v57  }
0x90: {  	v2 =	vor.u32 v3, v2;
	v1 =	vld.idx.msk [tilespmem:v1+s3+$0x0], $0xffff  }
0x91: {  	v2 =	vor.u32 v0, v2  }
0x92: {  	s25 =	sadd.s32 $0xFFFFFFFB, s18  }
0x93: {  	v3 =	vmov s25  }
0x94: {  	s26 =	sadd.s32 $0x80, s17;
	v58 =	vshll.u32 v3, $0x3  }
0x95: {  	[tilespmem:s26+$0xFFFFFFC0] =	vst v1;
	v1 =	vand.u32 $0x7A, v3;
	v3 =	vand.u32 $0xC00, v58  }
0x96: {  	v2 =	vld.idx.msk [tilespmem:v2+s3+$0x0], $0xffff;
	v1 =	vor.u32 v3, v1  }
0x97: {  	v1 =	vor.u32 v0, v1  }
0x98: {  	s28 =	sadd.s32 $0xFFFFFFFC, s18  }
0x99: {  	v3 =	vmov s28  }
0x9a: {  	v59 =	vshll.u32 v3, $0x3  }
0x9b: {  	[tilespmem:s26+$0xFFFFFFD0] =	vst v2;
	v2 =	vand.u32 $0x7B, v3;
	v3 =	vand.u32 $0xC00, v59  }
0x9c: {  	v1 =	vld.idx.msk [tilespmem:v1+s3+$0x0], $0xffff;
	v2 =	vor.u32 v3, v2  }
0x9d: {  	v2 =	vor.u32 v0, v2  }
0x9e: {  	s29 =	sadd.s32 $0xFFFFFFFD, s18  }
0x9f: {  	v3 =	vmov s29  }
0xa0: {  	v60 =	vshll.u32 v3, $0x3  }
0xa1: {  	[tilespmem:s26+$0xFFFFFFE0] =	vst v1;
	v1 =	vand.u32 $0x7C, v3;
	v3 =	vand.u32 $0xC00, v60  }
0xa2: {  	v2 =	vld.idx.msk [tilespmem:v2+s3+$0x0], $0xffff;
	v1 =	vor.u32 v3, v1  }
0xa3: {  	v1 =	vor.u32 v0, v1  }
0xa4: {  	s30 =	sadd.s32 $0xFFFFFFFE, s18  }
0xa5: {  	v3 =	vmov s30  }
0xa6: {  	v61 =	vshll.u32 v3, $0x3  }
0xa7: {  	[tilespmem:s26+$0xFFFFFFF0] =	vst v2;
	v2 =	vand.u32 $0x7D, v3;
	v3 =	vand.u32 $0xC00, v61  }
0xa8: {  	v1 =	vld.idx.msk [tilespmem:v1+s3+$0x0], $0xffff;
	v2 =	vor.u32 v3, v2  }
0xa9: {  	v2 =	vor.u32 v0, v2  }
0xaa: {  	s31 =	sadd.s32 $0xFFFFFFFF, s18  }
0xab: {  	v3 =	vmov s31  }
0xac: {  	v62 =	vshll.u32 v3, $0x3  }
0xad: {  	[tilespmem:s26+$0x0] =	vst v1;
	v1 =	vand.u32 $0x7E, v3;
	v3 =	vand.u32 $0xC00, v62  }
0xae: {  	v2 =	vld.idx.msk [tilespmem:v2+s3+$0x0], $0xffff;
	v1 =	vor.u32 v3, v1  }
0xaf: {  	v1 =	vor.u32 v0, v1;
	_ =	sdelay $0x1  }
0xb0: {  	v3 =	vmov s18  }
0xb1: {  	v63 =	vshll.u32 v3, $0x3  }
0xb2: {  	[tilespmem:s26+$0x10] =	vst v2;
	v2 =	vand.u32 $0x7F, v3;
	v3 =	vand.u32 $0xC00, v63  }
0xb3: {  	v1 =	vld.idx.msk [tilespmem:v1+s3+$0x0], $0xffff;
	v2 =	vor.u32 v3, v2  }
0xb4: {  	v2 =	vor.u32 v0, v2;
	_ =	sdelay $0x3  }
0xb5: {  	[tilespmem:s26+$0x20] =	vst v1  }
0xb6: {  	v1 =	vld.idx.msk [tilespmem:v2+s3+$0x0], $0xffff;
	_ =	sdelay $0x3  }
0xb7: {  	s16 =	sshll.u32 s16, $0xA  }
.Ltmp6:
0xb8: {  	s16 =	sadd.s32 s5, s16;
	[tilespmem:s26+$0x30] =	vst v1;
	(pc) =	sbr.rel .LBB2_6-.Ltmp6, $4  }
0xb9: {  	[hbm4b:s16+s3] =	stream.linear.scatter [tilespmem:s12], [sflag:$0x1], $0x2000, $0x38;
	[tilespmem:$0x4400] =	vst v63  }
0xba: {  	_ =	swait.ge [sflag:s13], $0x2000  }
0xbb: {  	[sflag:s13] =	ssyncset.done $0x0  }
0xbc: {  	[sflag:s13] =	ssyncadd.s32 $0xFFFFE000  }
.LBB2_8:
0xbd: {  	_ =	sfence.sel $0x180000  }
0xbe: {  	[bflag:$0x0] =	sbarrier.arrive $0xFFFF  }
0xbf: {  	p0 =	sne.s32 s4, $0x0;
	_ =	strace $0x90000047  }
0xc0: {  	s0 =	sadd.s32 @!p0 $0x100000, s2;
	[bflag:$0x2] =	sbarrier.arrive $0xFFFF  }
0xc1: {  	[sflag:s0] =	ssyncadd.tile.s32 @!p0 $0x1;
	_ =	shalt  }
.Lfunc_end2:
_tile_overlayer_lowered:
.L_overlay_start_2:
0xc2: {  	(tag) =	ssettag $0x2  }
0xc3: {  	s0 =	rddreg [dreg:$0x0];
	s2 =	stileid.u32  }
0xc4: {  	s1 =	rddreg [dreg:$0x1];
	p0 =	sne.s32 s2, $0x0  }
0xc5: {  	s3 =	rddreg [dreg:$0x2];
	[bflag:$0x3] =	sbarrier.arrive $0xFFFF;
	s2 =	simm.s32 @!p0 $0x1C01  }
0xc6: {  	[timem:s3], [sflag:s2] =	dma.local @!p0 [hbm:s0], s1  }
0xc7: {  	s0 =	simm.s32 @!p0 $0x1  }
0xc8: {  	_ =	swait.ge @!p0 [sflag:s0], s1  }
0xc9: {  	s1 =	ssub.s32 @!p0 $0x0, s1;
	[sflag:s0] =	ssyncset.done @!p0 $0x0  }
0xca: {  	[sflag:s0] =	ssyncadd.s32 @!p0 s1  }
0xcb: {  	[bflag:$0x3] =	sbarrier.arrive $0xFFFF  }
0xcc: {  	_ =	shalt  }

// kernel: kernel.7.cloned.1.call-start
scs
__scs_entry_jumppad:
0x0: {  	(pc) =	sbr.rel $0x88, $3  }
0x1: {  	(tag) =	ssettag $0x0;
	lr =	simm.s32 $0x1  }
0x2: {  	[smem:$0x3F9D] =	sst lr;
	_ =	strace $0xD0000000  }
0x3: {  	_ = 	snop  }
0x4: {  	_ = 	snop  }
0x5: {  	_ = 	snop  }
0x6: {  	_ = 	snop  }
0x7: {  	_ = 	snop  }
__scs_overlays_trampoline_lowered:
0x8: {  	[smem:$0x3FAC] =	sst s0  }
0x9: {  	[smem:$0x3FAD] =	sst s1  }
0xa: {  	[smem:$0x3FAE] =	sst s2  }
0xb: {  	[smem:$0x3FAF] =	sst s3  }
0xc: {  	[smem:$0x3FB0] =	sst s4  }
0xd: {  	[smem:$0x3FB1] =	sst s5  }
0xe: {  	[smem:$0x3FB2] =	sst s6  }
0xf: {  	[smem:$0x3FB3] =	sst s7  }
0x10: {  	[smem:$0x3FB4] =	sst s8  }
0x11: {  	[smem:$0x3FB5] =	sst s9;
	s0 =	simm.s32 @!p0 $0x0  }
0x12: {  	s1 =	sld [smem:$0x3F9B];
	s0 =	simm.s32 @p0 $0x1  }
0x13: {  	[smem:$0x3FB6] =	sst s0;
	s0 =	simm.s32 @!p1 $0x0  }
0x14: {  	s2 =	sld [smem:$0x3F9A];
	s0 =	simm.s32 @p1 $0x1  }
0x15: {  	[smem:$0x3FB7] =	sst s0;
	s0 =	simm.s32 @!p2 $0x0  }
0x16: {  	s3 =	sld [smem:$0x3FDB];
	s0 =	simm.s32 @p2 $0x1  }
0x17: {  	s4 =	simm.s32 $0x1BF5;
	[smem:$0x3FB9] =	sst s0  }
0x18: {  	s0 =	sld [smem:$0x3F9C];
	_ =	swait.ge [sflag:s4], $0x0  }
0x19: {  	s7 =	sld [smem:$0x3F9D]  }
0x1a: {  	s8 =	sadd.s32 $0xFFFFE003, lr  }
0x1b: {  	s9 =	sadd.s32 $0xFFFFFEF7, lr;
	s5 =	simm.s32 $0xFFFFFFFF;
	p2 =	slt.u32 s8, $0xFFFFF086  }
0x1c: {  	p1 =	slt.u32 s9, $0xF7A;
	s5 =	simm.s32 @!p2 $0x0  }
0x1d: {  	s5 =	simm.s32 @p1 $0x1;
	p0 =	seq.s32 s7, s2  }
0x1e: {  	s7 =	smul.u32 @!p0 $0xF7A, s2;
	p2 =	seq.s32 @!p0 s5, $0x0  }
0x1f: {  	s9 =	smul.u32 $0xF7A, s1;
	s8 =	simm.s32 @!p0 $0x1BF5;
	p2 =	por !p2, p0  }
0x20: {  	[sflag:s8] =	ssyncset.s32 @!p0 $0xFFFFF086;
	s6 =	sadd.s32 @!p0 s3, s7;
	s7 =	simm.s32 @!p0 $0x108  }
0x21: {  	s3 =	sadd.s32 s3, s9;
	s6 =	sadd.s32 @!p0 $0x88, s6;
	s7 =	simm.s32 @p2 $0x1082  }
0x22: {  	[simem:s7], [sflag:s8] =	dma.local @!p0 [hbm:s6], $0xF7A  }
0x23: {  	s9 =	sor.u32 $0xD0000000, s2;
	s6 =	simm.s32 $0x108;
	_ =	swait.ge @!p0 [sflag:s8], $0x0  }
0x24: {  	s3 =	sadd.s32 $0x88, s3;
	s6 =	simm.s32 @!p1 $0x1082;
	[sflag:s4] =	ssyncset.s32 $0xFFFFF086  }
0x25: {  	[simem:s6], [sflag:s4] =	dma.local [hbm:s3], $0xF7A  }
0x26: {  	[smem:$0x3F9D] =	sst s1;
	(tag) =	ssettag s2;
	_ =	strace s9  }
0x27: {  	s1 =	sld [smem:$0x3FAD]  }
0x28: {  	s2 =	sld [smem:$0x3FAE]  }
0x29: {  	s4 =	sld [smem:$0x3FB0]  }
0x2a: {  	p0 =	seq.s32 s5, $0x0;
	s5 =	sld [smem:$0x3FB1]  }
0x2b: {  	s6 =	sld [smem:$0x3FB2]  }
0x2c: {  	s7 =	sld [smem:$0x3FB3]  }
0x2d: {  	s3 =	simm.s32 $0x108;
	s8 =	sld [smem:$0x3FB4]  }
0x2e: {  	s3 =	simm.s32 @!p0 $0x1082;
	s9 =	sld [smem:$0x3FB5]  }
0x2f: {  	lr =	sadd.s32 s0, s3;
	s0 =	sld [smem:$0x3FAC]  }
0x30: {  	s3 =	sld [smem:$0x3FAF]  }
0x31: {  	[smem:$0x3FB8] =	sst s10  }
0x32: {  	s10 =	sld [smem:$0x3FB6];
	_ =	sdelay $0x3  }
0x33: {  	p0 =	seq.s32 s10, $0x1;
	s10 =	sld [smem:$0x3FB8];
	_ =	sdelay $0x3  }
0x34: {  	[smem:$0x3FB8] =	sst s10  }
0x35: {  	s10 =	sld [smem:$0x3FB7];
	_ =	sdelay $0x3  }
0x36: {  	p1 =	seq.s32 s10, $0x1;
	s10 =	sld [smem:$0x3FB8];
	_ =	sdelay $0x3  }
0x37: {  	[smem:$0x3FB8] =	sst s10  }
0x38: {  	s10 =	sld [smem:$0x3FB9]  }
0x39: {  	_ = 	snop;
	(pc) =	sbr.ind lr, $3  }
0x3a: {  	_ = 	snop  }
0x3b: {  	_ = 	snop  }
0x3c: {  	p2 =	seq.s32 s10, $0x1;
	s10 =	sld [smem:$0x3FB8]  }
0x3d: {  	_ =	shalt  }
0x3e: {  	_ =	shalt  }
0x3f: {  	_ =	shalt  }
0x40: {  	_ =	shalt  }
0x41: {  	_ =	shalt  }
0x42: {  	_ =	shalt  }
0x43: {  	_ =	shalt  }
0x44: {  	_ =	shalt  }
0x45: {  	_ =	shalt  }
0x46: {  	_ =	shalt  }
0x47: {  	_ =	shalt  }
0x48: {  	_ =	shalt  }
0x49: {  	_ =	shalt  }
0x4a: {  	_ =	shalt  }
0x4b: {  	_ =	shalt  }
0x4c: {  	_ =	shalt  }
0x4d: {  	_ =	shalt  }
0x4e: {  	_ =	shalt  }
0x4f: {  	_ =	shalt  }
0x50: {  	_ =	shalt  }
0x51: {  	_ =	shalt  }
0x52: {  	_ =	shalt  }
0x53: {  	_ =	shalt  }
0x54: {  	_ =	shalt  }
0x55: {  	_ =	shalt  }
0x56: {  	_ =	shalt  }
0x57: {  	_ =	shalt  }
0x58: {  	_ =	shalt  }
0x59: {  	_ =	shalt  }
0x5a: {  	_ =	shalt  }
0x5b: {  	_ =	shalt  }
0x5c: {  	_ =	shalt  }
0x5d: {  	_ =	shalt  }
0x5e: {  	_ =	shalt  }
0x5f: {  	_ =	shalt  }
0x60: {  	_ =	shalt  }
0x61: {  	_ =	shalt  }
0x62: {  	_ =	shalt  }
0x63: {  	_ =	shalt  }
0x64: {  	_ =	shalt  }
0x65: {  	_ =	shalt  }
0x66: {  	_ =	shalt  }
0x67: {  	_ =	shalt  }
0x68: {  	_ =	shalt  }
0x69: {  	_ =	shalt  }
0x6a: {  	_ =	shalt  }
0x6b: {  	_ =	shalt  }
0x6c: {  	_ =	shalt  }
0x6d: {  	_ =	shalt  }
0x6e: {  	_ =	shalt  }
0x6f: {  	_ =	shalt  }
0x70: {  	_ =	shalt  }
0x71: {  	_ =	shalt  }
0x72: {  	_ =	shalt  }
0x73: {  	_ =	shalt  }
0x74: {  	_ =	shalt  }
0x75: {  	_ =	shalt  }
0x76: {  	_ =	shalt  }
0x77: {  	_ =	shalt  }
0x78: {  	_ =	shalt  }
0x79: {  	_ =	shalt  }
0x7a: {  	_ =	shalt  }
0x7b: {  	_ =	shalt  }
0x7c: {  	_ =	shalt  }
0x7d: {  	_ =	shalt  }
0x7e: {  	_ =	shalt  }
0x7f: {  	_ =	shalt  }
0x80: {  	_ =	shalt  }
0x81: {  	_ =	shalt  }
0x82: {  	_ =	shalt  }
0x83: {  	_ =	shalt  }
0x84: {  	_ =	shalt  }
0x85: {  	_ =	shalt  }
0x86: {  	_ =	shalt  }
0x87: {  	_ =	shalt  }
.Lfunc_end0:
.L_simem_size_0:
called_computation.1_lowered:
.L_overlay_start_0:
0x88: {  	s2 =	sld [smem:$0x3FD9]  }
0x89: {  	s3 =	sld [smem:$0x3FFE];
	_ =	sdelay $0x1  }
0x8a: {  	s1 =	srdreg.scid  }
0x8b: {  	s0 =	sand.u32 $0x1, s1  }
0x8c: {  	s17 =	sshll.u32 s0, $0xA;
	s2 =	sadd.s32 s3, s2  }
0x8d: {  	s2 =	sadd.s32 s2, s17  }
0x8e: {  	[smem:$0x3FC4] =	sst s2  }
0x8f: {  	_ = 	snop  }
0x90: {  	s2 =	sld [smem:$0x3FD0];
	(tm) =	ssettm $0x1  }
0x91: {  	s18 =	sld [smem:$0x3FFB];
	_ =	sdelay $0x3  }
0x92: {  	_ =	strace s18  }
0x93: {  	s3 =	sld [smem:$0x3FFC];
	_ =	sdelay $0x3  }
0x94: {  	_ =	strace s3  }
0x95: {  	s3 =	sld [smem:$0x3FFD];
	_ =	sdelay $0x3  }
0x96: {  	_ =	strace s3  }
0x97: {  	_ =	strace $0x8FFFFFFF  }
0x98: {  	s19 =	sld [smem:$0x3FDB];
	_ =	sdelay $0x1  }
0x99: {  	s4 =	simm.s32 $_scs_section_size  }
0x9a: {  	s5 =	simm.s32 $_size__tile_overlayer_lowered;
	s6 =	simm.s32 $_tile_overlayer_lowered  }
0x9b: {  	s22 =	simm.s32 $0x1BFF;
	s21 =	sshll.u32 s6, $0x1;
	s3 =	sadd.s32 s4, s19  }
0x9c: {  	s7 =	simm.s32 $0x0;
	s20 =	sshll.u32 s5, $0x1;
	s5 =	sadd.s32 s21, s3  }
0x9d: {  	[timem:s7], [sflag:s22] =	dma.local [hbm:s5], s20  }
0x9e: {  	_ =	swait.ge [sflag:s22], s20  }
0x9f: {  	s4 =	ssub.s32 $0x0, s20;
	[sflag:s22] =	ssyncset.done $0x0  }
0xa0: {  	[sflag:s22] =	ssyncadd.s32 s4;
	_ =	sdelay $0x1  }
0xa1: {  	s23 =	simm.s32 $0x1B8B  }
0xa2: {  	_ =	swait.ge [sflag:s23], $0x1  }
0xa3: {  	[sflag:s23] =	ssyncset.done $0x0  }
0xa4: {  	s25 =	simm.s32 $0x1B8E;
	s24 =	sld [smem:$0x3FFE];
	[sflag:s23] =	ssyncadd.s32 $0xFFFFFFFF  }
0xa5: {  	s26 =	simm.s32 $execute0_lowered;
	[smem:$0x3FD2] =	sst s25  }
0xa6: {  	s5 =	sshll.u32 s26, $0x1;
	_ =	strace $0x80000049;
	[dreg:$0x1] =	wrdreg $0xFFFFFFFF  }
0xa7: {  	s28 =	simm.s32 $_size_execute0_lowered;
	s3 =	sadd.s32 s3, s5;
	[dreg:$0x0] =	wrdreg $0x0  }
0xa8: {  	s5 =	sshll.u32 s28, $0x1;
	[dreg:$0x2] =	wrdreg s3  }
0xa9: {  	[dreg:$0x3] =	wrdreg s5  }
0xaa: {  	[dreg:$0x4] =	wrdreg $0xC0  }
0xab: {  	_ =	task [dreg:s7], $0x5FFFF  }
0xac: {  	[dreg:$0x1] =	wrdreg $0xFFFFFFFF  }
0xad: {  	[dreg:$0x0] =	wrdreg $0x60  }
0xae: {  	[dreg:$0x2] =	wrdreg s24  }
0xaf: {  	[dreg:$0x3] =	wrdreg s2  }
0xb0: {  	[dreg:$0x4] =	wrdreg $0x9  }
0xb1: {  	_ =	task.clear_ibuf [dreg:s7], $0x5FFFF;
	_ =	strace $0x90000049  }
0xb2: {  	s29 =	simm.s32 $0x9;
	_ =	strace $0x8000004B  }
0xb3: {  	_ =	swait.ge [sflag:s29], $0x1  }
0xb4: {  	[sflag:s29] =	ssyncadd.s32 $0xFFFFFFFF  }
0xb5: {  	_ =	strace $0x9000004B  }
0xb6: {  	_ =	sfence  }
0xb7: {  	s30 =	sld [smem:$0x0];
	_ =	sdelay $0x2  }
0xb8: {  	s31 =	sshll.u32 s1, $0xD;
	s1 =	sshrl.u32 s1, $0x2  }
0xb9: {  	s3 =	sand.u32 $0x4000, s31;
	s1 =	sadd.s32 s1, s30  }
0xba: {  	s0 =	sor.u32 s3, s0;
	s1 =	sshll.u32 s1, $0x11  }
0xbb: {  	s0 =	sor.u32 s1, s0  }
0xbc: {  	s0 =	sadd.s32 $0x8F2B, s0  }
0xbd: {  	[sflag:s0] =	ssyncadd.remote.s32 $0x1  }
0xbe: {  	_ =	sfence.sel $0xFFFF  }
0xbf: {  	[dreg:$0x0] =	wrdreg $0xFFFFFFFF;
	(pc) =	sbr.abs _section_cstart, $3  }
0xc0: {  	[dreg:$0x1] =	wrdreg $0xFFFFFFFF  }
0xc1: {  	_ =	task.clear_ibuf [dreg:s7], $0x2FFFF;
	_ =	strace $0x9FFFFFFF  }
0xc2: {  	(tm) =	ssettm $0x7FFFFFFF  }
0xc3: {  	_ =	shalt  }
tec
execute0_lowered:
.L_overlay_start_1:
0x0: {  	(tag) =	ssettag $0x1  }
0x1: {  	s0 =	srdreg.scid;
	s1 =	rddreg [dreg:$0x0]  }
0x2: {  	s2 =	stileid.u32;
	s5 =	rddreg [dreg:$0x1];
	s12 =	simm.s32 $0x0  }
0x3: {  	s14 =	simm.s32 $0x3;
	s11 =	simm.s32 $0x80;
	s19 =	simm.s32 $0x5400  }
0x4: {  	s20 =	simm.s32 $0x9E00;
	s21 =	simm.s32 $0x5C00;
	s22 =	simm.s32 $0x9E80  }
0x5: {  	s23 =	simm.s32 $0x6400;
	s28 =	simm.s32 $0x7400;
	s29 =	simm.s32 $0xA000  }
0x6: {  	s30 =	simm.s32 $0x7C00;
	s31 =	simm.s32 $0xA080;
	s10 =	simm.s32 $0x8C00  }
0x7: {  	s7 =	simm.s32 $0xA200;
	s8 =	simm.s32 $0x1;
	s9 =	simm.s32 $0xA280  }
0x8: {  	s15 =	simm.s32 $0x0;
	s0 =	sand.u32 $0x1, s0;
	s2 =	sshll.u32 s2, $0x1  }
0x9: {  	[smem:$0x7FF] =	sst s12;
	s2 =	sor.u32 s0, s2;
	s0 =	ssub.s32 $0x2, s0  }
0xa: {  	s4 =	sadd.s32 $0x503E00, s1;
	_ =	strace $0x8000004A;
	s24 =	sshrl.u32 s0, $0x1  }
0xb: {  	s3 =	smul.u32 $0x680, s2;
	s2 =	sshll.u32 s2, $0x6;
	s0 =	ssub.s32 s0, s24  }
0xc: {  	s26 =	sadd.s32 s5, s2;
	s24 =	simm.s32 $0x9F00;
	s5 =	simm.s32 $0xA180  }
0xd: {  	s2 =	simm.s32 $0x2;
	s6 =	sadd.s32 s3, s1;
	s3 =	sadd.s32 $0x1200, s1  }
0xe: {  	s1 =	sadd.s32 $0x553400, s1;
	[dreg:$0x5] =	wrdreg s26;
	s0 =	smax.u32 s0, $0x1  }
0xf: {  	s26 =	simm.s32 $0x9F80;
	[dreg:$0x3] =	wrdreg s1;
	s25 =	sadd.s32 $0x4F6E00, s6  }
0x10: {  	[dreg:$0x6] =	wrdreg s0;
	s1 =	simm.s32 $0x8400;
	s0 =	simm.s32 $0xA100  }
0x11: {  	vm0 =	vmmov $0x3f;
	vm1 =	vcmask $0x3F3C;
	s6 =	simm.s32 $0x9400;
	[dreg:$0x4] =	wrdreg s25;
	s25 =	simm.s32 $0x6C00  }
.LBB2_1:
0x12: {  	[dreg:$0x7] =	wrdreg s15  }
0x13: {  	s13 =	rddreg [dreg:$0x4]  }
0x14: {  	[tilespmem:s12], [sflag:$0x3] =	stream.linear.gather [hbm4b:s13+s12], $0x3400, $0x38;
	[tilespmem:$0xA490] =	vst v63  }
0x15: {  	_ =	swait.ge [sflag:s14], $0x3400  }
0x16: {  	[sflag:s14] =	ssyncset.done $0x0  }
0x17: {  	s18 =	simm.s32 $0xA480;
	s17 =	rddreg [dreg:$0x3];
	[sflag:s14] =	ssyncadd.s32 $0xFFFFCC00  }
0x18: {  	[tilespmem:s18], [sflag:$0x3] =	stream.linear.gather [hbm4b:s17+s12], $0x10, $0x38;
	[tilespmem:$0xA490] =	vst v63  }
0x19: {  	_ =	swait.ge [sflag:s14], $0x10  }
0x1a: {  	[sflag:s14] =	ssyncset.done $0x0  }
0x1b: {  	s13 =	simm.s32 $0x0;
	s12 =	simm.s32 $0x0;
	[sflag:s14] =	ssyncadd.s32 $0xFFFFFFF0  }
.LBB2_2:
0x1c: {  	s14 =	smul.u32 $0x1A00, s13;
	_ =	sdelay $0x1  }
0x1d: {  	s17 =	simm.s32 $0x3400;
	s15 =	sshra.s32 s14, $0x2  }
0x1e: {  	[tilespmem:s17], [sflag:$0x1] =	stream.indirect.gather [hbm4b:s3+s11], $0x10, s15, s11, $0xb8;
	[tilespmem:$0xA490] =	vst v63  }
0x1f: {  	s14 =	simm.s32 $0x9C00  }
0x20: {  	[tilespmem:s14], [sflag:$0x2] =	stream.indirect.gather [hbm4b:s4+s11], $0x1, s15, s11, $0xb8;
	[tilespmem:$0xA490] =	vst v63  }
0x21: {  	s16 =	sadd.s32 $0x80, s15;
	s17 =	simm.s32 $0x3C00  }
0x22: {  	[tilespmem:s17], [sflag:$0x1] =	stream.indirect.gather [hbm4b:s3+s11], $0x10, s16, s11, $0xb8;
	[tilespmem:$0xA490] =	vst v63  }
0x23: {  	s18 =	simm.s32 $0x9C80  }
0x24: {  	[tilespmem:s18], [sflag:$0x2] =	stream.indirect.gather [hbm4b:s4+s11], $0x1, s16, s11, $0xb8;
	[tilespmem:$0xA490] =	vst v63  }
0x25: {  	s16 =	sadd.s32 $0x100, s15;
	s18 =	simm.s32 $0x4400  }
0x26: {  	[tilespmem:s18], [sflag:$0x1] =	stream.indirect.gather [hbm4b:s3+s11], $0x10, s16, s11, $0xb8;
	[tilespmem:$0xA490] =	vst v63  }
0x27: {  	s18 =	simm.s32 $0x9D00  }
0x28: {  	[tilespmem:s18], [sflag:$0x2] =	stream.indirect.gather [hbm4b:s4+s11], $0x1, s16, s11, $0xb8;
	[tilespmem:$0xA490] =	vst v63  }
0x29: {  	s16 =	sadd.s32 $0x180, s15;
	s18 =	simm.s32 $0x4C00  }
0x2a: {  	[tilespmem:s18], [sflag:$0x1] =	stream.indirect.gather [hbm4b:s3+s11], $0x10, s16, s11, $0xb8;
	[tilespmem:$0xA490] =	vst v63  }
0x2b: {  	s18 =	simm.s32 $0x9D80  }
0x2c: {  	[tilespmem:s18], [sflag:$0x2] =	stream.indirect.gather [hbm4b:s4+s11], $0x1, s16, s11, $0xb8;
	[tilespmem:$0xA490] =	vst v63  }
0x2d: {  	s17 =	sadd.s32 $0x200, s15  }
0x2e: {  	[tilespmem:s19], [sflag:$0x1] =	stream.indirect.gather [hbm4b:s3+s11], $0x10, s17, s11, $0xb8;
	[tilespmem:$0xA490] =	vst v63  }
0x2f: {  	_ = 	snop  }
0x30: {  	[tilespmem:s20], [sflag:$0x2] =	stream.indirect.gather [hbm4b:s4+s11], $0x1, s17, s11, $0xb8;
	[tilespmem:$0xA490] =	vst v63  }
0x31: {  	s18 =	sadd.s32 $0x280, s15  }
0x32: {  	[tilespmem:s21], [sflag:$0x1] =	stream.indirect.gather [hbm4b:s3+s11], $0x10, s18, s11, $0xb8;
	[tilespmem:$0xA490] =	vst v63  }
0x33: {  	_ = 	snop  }
0x34: {  	[tilespmem:s22], [sflag:$0x2] =	stream.indirect.gather [hbm4b:s4+s11], $0x1, s18, s11, $0xb8;
	[tilespmem:$0xA490] =	vst v63  }
0x35: {  	s17 =	sadd.s32 $0x300, s15  }
0x36: {  	[tilespmem:s23], [sflag:$0x1] =	stream.indirect.gather [hbm4b:s3+s11], $0x10, s17, s11, $0xb8;
	[tilespmem:$0xA490] =	vst v63  }
0x37: {  	_ = 	snop  }
0x38: {  	[tilespmem:s24], [sflag:$0x2] =	stream.indirect.gather [hbm4b:s4+s11], $0x1, s17, s11, $0xb8;
	[tilespmem:$0xA490] =	vst v63  }
0x39: {  	s18 =	sadd.s32 $0x380, s15  }
0x3a: {  	[tilespmem:s25], [sflag:$0x1] =	stream.indirect.gather [hbm4b:s3+s11], $0x10, s18, s11, $0xb8;
	[tilespmem:$0xA490] =	vst v63  }
0x3b: {  	_ = 	snop  }
0x3c: {  	[tilespmem:s26], [sflag:$0x2] =	stream.indirect.gather [hbm4b:s4+s11], $0x1, s18, s11, $0xb8;
	[tilespmem:$0xA490] =	vst v63  }
0x3d: {  	s17 =	sadd.s32 $0x400, s15  }
0x3e: {  	[tilespmem:s28], [sflag:$0x1] =	stream.indirect.gather [hbm4b:s3+s11], $0x10, s17, s11, $0xb8;
	[tilespmem:$0xA490] =	vst v63  }
0x3f: {  	_ = 	snop  }
0x40: {  	[tilespmem:s29], [sflag:$0x2] =	stream.indirect.gather [hbm4b:s4+s11], $0x1, s17, s11, $0xb8;
	[tilespmem:$0xA490] =	vst v63  }
0x41: {  	s18 =	sadd.s32 $0x480, s15  }
0x42: {  	[tilespmem:s30], [sflag:$0x1] =	stream.indirect.gather [hbm4b:s3+s11], $0x10, s18, s11, $0xb8;
	[tilespmem:$0xA490] =	vst v63  }
0x43: {  	_ = 	snop  }
0x44: {  	[tilespmem:s31], [sflag:$0x2] =	stream.indirect.gather [hbm4b:s4+s11], $0x1, s18, s11, $0xb8;
	[tilespmem:$0xA490] =	vst v63  }
0x45: {  	s17 =	sadd.s32 $0x500, s15  }
0x46: {  	[tilespmem:s1], [sflag:$0x1] =	stream.indirect.gather [hbm4b:s3+s11], $0x10, s17, s11, $0xb8;
	[tilespmem:$0xA490] =	vst v63  }
0x47: {  	_ = 	snop  }
0x48: {  	[tilespmem:s0], [sflag:$0x2] =	stream.indirect.gather [hbm4b:s4+s11], $0x1, s17, s11, $0xb8;
	[tilespmem:$0xA490] =	vst v63  }
0x49: {  	s18 =	sadd.s32 $0x580, s15  }
0x4a: {  	[tilespmem:s10], [sflag:$0x1] =	stream.indirect.gather [hbm4b:s3+s11], $0x10, s18, s11, $0xb8;
	[tilespmem:$0xA490] =	vst v63  }
0x4b: {  	_ = 	snop  }
0x4c: {  	[tilespmem:s5], [sflag:$0x2] =	stream.indirect.gather [hbm4b:s4+s11], $0x1, s18, s11, $0xb8;
	[tilespmem:$0xA490] =	vst v63  }
0x4d: {  	s15 =	sadd.s32 $0x600, s15  }
0x4e: {  	[tilespmem:s6], [sflag:$0x1] =	stream.indirect.gather [hbm4b:s3+s11], $0x10, s15, s11, $0xb8;
	[tilespmem:$0xA490] =	vst v63  }
0x4f: {  	_ = 	snop  }
0x50: {  	[tilespmem:s7], [sflag:$0x2] =	stream.indirect.gather [hbm4b:s4+s11], $0x1, s15, s11, $0xb8;
	[tilespmem:$0xA490] =	vst v63  }
0x51: {  	_ =	swait.ge [sflag:s8], $0x6800  }
0x52: {  	[sflag:s8] =	ssyncset.done $0x0  }
0x53: {  	[sflag:s8] =	ssyncadd.s32 $0xFFFF9800  }
0x54: {  	_ =	swait.ge [sflag:s2], $0x680  }
0x55: {  	[sflag:s2] =	ssyncset.done $0x0  }
0x56: {  	s17 =	simm.s32 $0x34D0;
	[sflag:s2] =	ssyncadd.s32 $0xFFFFF980  }
0x57: {  	v0 =	vld [tilespmem:s17+$0xFFFFFF30]  }
0x58: {  	v1 =	vld [tilespmem:s17+$0xFFFFFF40];
	_ =	sdelay $0x1  }
0x59: {  	v2 =	vld [tilespmem:s17+$0xFFFFFF50];
	_ =	sdelay $0x1  }
0x5a: {  	v3 =	vld [tilespmem:s17+$0xFFFFFF60]  }
0x5b: {  	v4 =	vmul.f32 v0, v0;
	v0 =	vadd.f32 v1, v0;
	v1 =	vmul.f32 v1, v1  }
0x5c: {  	v5 =	vld [tilespmem:s17+$0xFFFFFF70]  }
0x5d: {  	v1 =	vadd.f32 v1, v4;
	v0 =	vadd.f32 v2, v0;
	v2 =	vmul.f32 v2, v2  }
0x5e: {  	v50 =	vld [tilespmem:s17+$0xFFFFFF80]  }
0x5f: {  	v1 =	vadd.f32 v2, v1;
	v0 =	vadd.f32 v3, v0;
	v2 =	vmul.f32 v3, v3  }
0x60: {  	v3 =	vld [tilespmem:s17+$0xFFFFFF90]  }
0x61: {  	v1 =	vadd.f32 v2, v1;
	v0 =	vadd.f32 v5, v0;
	v2 =	vmul.f32 v5, v5  }
0x62: {  	v51 =	vld [tilespmem:s17+$0xFFFFFFA0]  }
0x63: {  	v1 =	vadd.f32 v2, v1;
	v0 =	vadd.f32 v50, v0;
	v2 =	vmul.f32 v50, v50  }
0x64: {  	v52 =	vld [tilespmem:s17+$0xFFFFFFB0]  }
0x65: {  	v1 =	vadd.f32 v2, v1;
	v0 =	vadd.f32 v3, v0;
	v2 =	vmul.f32 v3, v3  }
0x66: {  	v3 =	vld [tilespmem:s17+$0xFFFFFFC0]  }
0x67: {  	v1 =	vadd.f32 v2, v1;
	v0 =	vadd.f32 v51, v0;
	v2 =	vmul.f32 v51, v51  }
0x68: {  	v53 =	vld [tilespmem:s17+$0xFFFFFFD0]  }
0x69: {  	v1 =	vadd.f32 v2, v1;
	v0 =	vadd.f32 v52, v0;
	v2 =	vmul.f32 v52, v52  }
0x6a: {  	v54 =	vld [tilespmem:s17+$0xFFFFFFE0]  }
0x6b: {  	v1 =	vadd.f32 v2, v1;
	v0 =	vadd.f32 v3, v0;
	v2 =	vmul.f32 v3, v3  }
0x6c: {  	v3 =	vld [tilespmem:s17+$0xFFFFFFF0]  }
0x6d: {  	v1 =	vadd.f32 v2, v1;
	v0 =	vadd.f32 v53, v0;
	v2 =	vmul.f32 v53, v53  }
0x6e: {  	v55 =	vld [tilespmem:s17+$0x0]  }
0x6f: {  	v1 =	vadd.f32 v2, v1;
	v0 =	vadd.f32 v54, v0;
	v2 =	vmul.f32 v54, v54  }
0x70: {  	v56 =	vld [tilespmem:s17+$0x10]  }
0x71: {  	v1 =	vadd.f32 v2, v1;
	v0 =	vadd.f32 v3, v0;
	v2 =	vmul.f32 v3, v3  }
0x72: {  	v3 =	vld [tilespmem:s17+$0x20]  }
0x73: {  	v1 =	vadd.f32 v2, v1;
	v0 =	vadd.f32 v55, v0;
	v2 =	vmul.f32 v55, v55  }
0x74: {  	v57 =	vld [tilespmem:s17+$0x30]  }
0x75: {  	v1 =	vadd.f32 v2, v1;
	v0 =	vadd.f32 v56, v0;
	v2 =	vmul.f32 v56, v56  }
0x76: {  	v58 =	vld [tilespmem:s17+$0x40]  }
0x77: {  	v1 =	vadd.f32 v2, v1;
	v0 =	vadd.f32 v3, v0;
	v2 =	vmul.f32 v3, v3  }
0x78: {  	v3 =	vld [tilespmem:s17+$0x50]  }
0x79: {  	v1 =	vadd.f32 v2, v1;
	v0 =	vadd.f32 v57, v0;
	v2 =	vmul.f32 v57, v57  }
0x7a: {  	v59 =	vld [tilespmem:s17+$0x60]  }
0x7b: {  	v1 =	vadd.f32 v2, v1;
	v0 =	vadd.f32 v58, v0;
	v2 =	vmul.f32 v58, v58  }
0x7c: {  	v60 =	vld [tilespmem:s17+$0x70]  }
0x7d: {  	v1 =	vadd.f32 v2, v1;
	v0 =	vadd.f32 v3, v0;
	v2 =	vmul.f32 v3, v3  }
0x7e: {  	v3 =	vld [tilespmem:s17+$0x80]  }
0x7f: {  	v1 =	vadd.f32 v2, v1;
	v0 =	vadd.f32 v59, v0;
	v2 =	vmul.f32 v59, v59  }
0x80: {  	v61 =	vld [tilespmem:s17+$0x90]  }
0x81: {  	v1 =	vadd.f32 v2, v1;
	v0 =	vadd.f32 v60, v0;
	v2 =	vmul.f32 v60, v60  }
0x82: {  	v62 =	vld [tilespmem:s17+$0xA0]  }
0x83: {  	v1 =	vadd.f32 v2, v1;
	v0 =	vadd.f32 v3, v0;
	v2 =	vmul.f32 v3, v3  }
0x84: {  	v3 =	vld [tilespmem:s17+$0xB0]  }
0x85: {  	v1 =	vadd.f32 v2, v1;
	v0 =	vadd.f32 v61, v0;
	v2 =	vmul.f32 v61, v61  }
0x86: {  	v63 =	vld [tilespmem:s17+$0xC0]  }
0x87: {  	v1 =	vadd.f32 v2, v1;
	v0 =	vadd.f32 v62, v0;
	v2 =	vmul.f32 v62, v62;
	_ =	sdelay $0x1  }
0x88: {  	v1 =	vadd.f32 v2, v1;
	v0 =	vadd.f32 v3, v0;
	v2 =	vmul.f32 v3, v3;
	_ =	sdelay $0x1  }
0x89: {  	v1 =	vadd.f32 v2, v1;
	v0 =	vadd.f32 v63, v0;
	v2 =	vmul.f32 v63, v63;
	_ =	sdelay $0x1  }
0x8a: {  	v1 =	vadd.f32 v2, v1;
	v0 =	vmul.f32 v0, v0  }
0x8b: {  	v2 =	vld [tilespmem:s14+$0x0]  }
0x8c: {  	v3 =	vld [tilespmem:s14+$0xA];
	v0 =	vsub.f32 v0, v1;
	_ =	sdelay $0x1  }
0x8d: {  	v0 =	vmul.f32 $5.000000000e-01, v0;
	_ =	sdelay $0x1  }
0x8e: {  	v0 =	vadd.f32 v0, v2  }
0x8f: {  	v1 =	vsel vm0, $0x0, v3  }
0x90: {  	v0 =	vadd.f32 v0, v1;
	_ =	sdelay $0x1  }
0x91: {  	(xrf2) =	vadd.scan.msk.f32 $0xffff, v0;
	_ =	sdelay $0x4  }
0x92: {  	s18 =	sadd.s32 $0x0, s12  }
0x93: {  	v0 =	vmov s18;
	_ =	sdelay $0x3  }
0x94: {  	v1, _, _ =	vpop (xrf2)  }
0x95: {  	s16 =	simm.s32 $0x3670;
	[tilespmem:v0+s9+$0x0] =	vst.idx.msk vm1, v1  }
0x96: {  	v0 =	vld [tilespmem:s16+$0xFFFFFF30]  }
0x97: {  	s15 =	simm.s32 $0x1;
	s17 =	simm.s32 $0x2;
	v1 =	vld [tilespmem:s16+$0xFFFFFF40]  }
.LBB2_3:
0x98: {  	p0 =	sne.s32 s17, $0x3F  }
0x99: {  	v2 =	vld [tilespmem:s16+$0xFFFFFF50];
	_ =	sdelay $0x1  }
0x9a: {  	v3 =	vld [tilespmem:s16+$0xFFFFFF60]  }
0x9b: {  	v4 =	vmul.f32 v0, v0;
	v0 =	vadd.f32 v1, v0;
	v1 =	vmul.f32 v1, v1  }
0x9c: {  	v5 =	vld [tilespmem:s16+$0xFFFFFF70]  }
0x9d: {  	v1 =	vadd.f32 v1, v4;
	v0 =	vadd.f32 v2, v0;
	v2 =	vmul.f32 v2, v2  }
0x9e: {  	v4 =	vld [tilespmem:s16+$0xFFFFFF80]  }
0x9f: {  	v1 =	vadd.f32 v2, v1;
	v0 =	vadd.f32 v3, v0;
	v2 =	vmul.f32 v3, v3  }
0xa0: {  	v3 =	vld [tilespmem:s16+$0xFFFFFF90]  }
0xa1: {  	v1 =	vadd.f32 v2, v1;
	v0 =	vadd.f32 v5, v0;
	v2 =	vmul.f32 v5, v5  }
0xa2: {  	v5 =	vld [tilespmem:s16+$0xFFFFFFA0]  }
0xa3: {  	v1 =	vadd.f32 v2, v1;
	v0 =	vadd.f32 v4, v0;
	v2 =	vmul.f32 v4, v4  }
0xa4: {  	v4 =	vld [tilespmem:s16+$0xFFFFFFB0]  }
0xa5: {  	v1 =	vadd.f32 v2, v1;
	v0 =	vadd.f32 v3, v0;
	v2 =	vmul.f32 v3, v3  }
0xa6: {  	v3 =	vld [tilespmem:s16+$0xFFFFFFC0]  }
0xa7: {  	v1 =	vadd.f32 v2, v1;
	v0 =	vadd.f32 v5, v0;
	v2 =	vmul.f32 v5, v5  }
0xa8: {  	v5 =	vld [tilespmem:s16+$0xFFFFFFD0]  }
0xa9: {  	v1 =	vadd.f32 v2, v1;
	v0 =	vadd.f32 v4, v0;
	v2 =	vmul.f32 v4, v4  }
0xaa: {  	v4 =	vld [tilespmem:s16+$0xFFFFFFE0]  }
0xab: {  	v1 =	vadd.f32 v2, v1;
	v0 =	vadd.f32 v3, v0;
	v2 =	vmul.f32 v3, v3  }
0xac: {  	v3 =	vld [tilespmem:s16+$0xFFFFFFF0]  }
0xad: {  	v1 =	vadd.f32 v2, v1;
	v0 =	vadd.f32 v5, v0;
	v2 =	vmul.f32 v5, v5  }
0xae: {  	v5 =	vld [tilespmem:s16+$0x0]  }
0xaf: {  	v1 =	vadd.f32 v2, v1;
	v0 =	vadd.f32 v4, v0;
	v2 =	vmul.f32 v4, v4  }
0xb0: {  	v4 =	vld [tilespmem:s16+$0x10]  }
0xb1: {  	v1 =	vadd.f32 v2, v1;
	v0 =	vadd.f32 v3, v0;
	v2 =	vmul.f32 v3, v3  }
0xb2: {  	v3 =	vld [tilespmem:s16+$0x20]  }
0xb3: {  	v1 =	vadd.f32 v2, v1;
	v0 =	vadd.f32 v5, v0;
	v2 =	vmul.f32 v5, v5  }
0xb4: {  	v5 =	vld [tilespmem:s16+$0x30]  }
0xb5: {  	v1 =	vadd.f32 v2, v1;
	v0 =	vadd.f32 v4, v0;
	v2 =	vmul.f32 v4, v4  }
0xb6: {  	v4 =	vld [tilespmem:s16+$0x40]  }
0xb7: {  	v1 =	vadd.f32 v2, v1;
	v0 =	vadd.f32 v3, v0;
	v2 =	vmul.f32 v3, v3  }
0xb8: {  	v3 =	vld [tilespmem:s16+$0x50]  }
0xb9: {  	v1 =	vadd.f32 v2, v1;
	v0 =	vadd.f32 v5, v0;
	v2 =	vmul.f32 v5, v5  }
0xba: {  	v5 =	vld [tilespmem:s16+$0x60]  }
0xbb: {  	v1 =	vadd.f32 v2, v1;
	v0 =	vadd.f32 v4, v0;
	v2 =	vmul.f32 v4, v4  }
0xbc: {  	v4 =	vld [tilespmem:s16+$0x70]  }
0xbd: {  	v1 =	vadd.f32 v2, v1;
	v0 =	vadd.f32 v3, v0;
	v2 =	vmul.f32 v3, v3  }
0xbe: {  	v3 =	vld [tilespmem:s16+$0x80]  }
0xbf: {  	v1 =	vadd.f32 v2, v1;
	v0 =	vadd.f32 v5, v0;
	v2 =	vmul.f32 v5, v5  }
0xc0: {  	v5 =	vld [tilespmem:s16+$0x90]  }
0xc1: {  	v1 =	vadd.f32 v2, v1;
	v0 =	vadd.f32 v4, v0;
	v2 =	vmul.f32 v4, v4  }
0xc2: {  	v4 =	vld [tilespmem:s16+$0xA0]  }
0xc3: {  	v1 =	vadd.f32 v2, v1;
	v0 =	vadd.f32 v3, v0;
	v2 =	vmul.f32 v3, v3  }
0xc4: {  	v3 =	vld [tilespmem:s16+$0xB0]  }
0xc5: {  	v1 =	vadd.f32 v2, v1;
	v0 =	vadd.f32 v5, v0;
	v2 =	vmul.f32 v5, v5  }
0xc6: {  	v5 =	vld [tilespmem:s16+$0xC0]  }
0xc7: {  	v1 =	vadd.f32 v2, v1;
	v0 =	vadd.f32 v4, v0;
	v2 =	vmul.f32 v4, v4;
	_ =	sdelay $0x1  }
0xc8: {  	v1 =	vadd.f32 v2, v1;
	v0 =	vadd.f32 v3, v0;
	v2 =	vmul.f32 v3, v3;
	_ =	sdelay $0x1  }
0xc9: {  	v1 =	vadd.f32 v2, v1;
	v0 =	vadd.f32 v5, v0;
	v2 =	vmul.f32 v5, v5;
	_ =	sdelay $0x1  }
0xca: {  	s14 =	sadd.s32 $0x1A, s14;
	v1 =	vadd.f32 v2, v1;
	v0 =	vmul.f32 v0, v0  }
0xcb: {  	v2 =	vld [tilespmem:s14+$0x0]  }
0xcc: {  	v3 =	vld [tilespmem:s14+$0xA];
	v0 =	vsub.f32 v0, v1;
	_ =	sdelay $0x1  }
0xcd: {  	v0 =	vmul.f32 $5.000000000e-01, v0;
	_ =	sdelay $0x1  }
0xce: {  	v0 =	vadd.f32 v0, v2  }
0xcf: {  	v1 =	vsel vm0, $0x0, v3  }
0xd0: {  	v0 =	vadd.f32 v0, v1;
	_ =	sdelay $0x1  }
0xd1: {  	(xrf2) =	vadd.scan.msk.f32 $0xffff, v0;
	_ =	sdelay $0x4  }
0xd2: {  	s18 =	sadd.s32 s15, s12;
	s15 =	smov.u32 s17  }
0xd3: {  	v0 =	vmov s18;
	_ =	sdelay $0x2  }
.Ltmp0:
0xd4: {  	(pc) =	sbr.rel @p0 .LBB2_3-.Ltmp0, $4  }
0xd5: {  	v1, _, _ =	vpop (xrf2)  }
0xd6: {  	s16 =	sadd.s32 $0x1A0, s16;
	[tilespmem:v0+s9+$0x0] =	vst.idx.msk vm1, v1  }
0xd7: {  	v0 =	vld [tilespmem:s16+$0xFFFFFF30]  }
0xd8: {  	s17 =	sadd.s32 $0x1, s17;
	v1 =	vld [tilespmem:s16+$0xFFFFFF40]  }
0xd9: {  	_ = 	snop  }
0xda: {  	v2 =	vld [tilespmem:s16+$0xFFFFFF50];
	_ =	sdelay $0x1  }
0xdb: {  	v3 =	vld [tilespmem:s16+$0xFFFFFF60]  }
0xdc: {  	v4 =	vmul.f32 v0, v0;
	v13 =	vadd.f32 v1, v0;
	v14 =	vmul.f32 v1, v1  }
0xdd: {  	v5 =	vld [tilespmem:s16+$0xFFFFFF70]  }
0xde: {  	v1 =	vadd.f32 v14, v4;
	v0 =	vadd.f32 v2, v13;
	v2 =	vmul.f32 v2, v2  }
0xdf: {  	v15 =	vld [tilespmem:s16+$0xFFFFFF80]  }
0xe0: {  	v16 =	vmul.f32 v3, v3;
	v1 =	vadd.f32 v2, v1;
	v0 =	vadd.f32 v3, v0  }
0xe1: {  	v17 =	vld [tilespmem:s16+$0xFFFFFF90]  }
0xe2: {  	v18 =	vmul.f32 v5, v5;
	v1 =	vadd.f32 v16, v1;
	v0 =	vadd.f32 v5, v0  }
0xe3: {  	v19 =	vld [tilespmem:s16+$0xFFFFFFA0]  }
0xe4: {  	v20 =	vmul.f32 v15, v15;
	v1 =	vadd.f32 v18, v1;
	v0 =	vadd.f32 v15, v0  }
0xe5: {  	v21 =	vld [tilespmem:s16+$0xFFFFFFB0]  }
0xe6: {  	v22 =	vmul.f32 v17, v17;
	v1 =	vadd.f32 v20, v1;
	v0 =	vadd.f32 v17, v0  }
0xe7: {  	v23 =	vld [tilespmem:s16+$0xFFFFFFC0]  }
0xe8: {  	v24 =	vmul.f32 v19, v19;
	v1 =	vadd.f32 v22, v1;
	v0 =	vadd.f32 v19, v0  }
0xe9: {  	v25 =	vld [tilespmem:s16+$0xFFFFFFD0]  }
0xea: {  	v26 =	vmul.f32 v21, v21;
	v1 =	vadd.f32 v24, v1;
	v0 =	vadd.f32 v21, v0  }
0xeb: {  	v27 =	vld [tilespmem:s16+$0xFFFFFFE0]  }
0xec: {  	v28 =	vmul.f32 v23, v23;
	v1 =	vadd.f32 v26, v1;
	v0 =	vadd.f32 v23, v0  }
0xed: {  	v29 =	vld [tilespmem:s16+$0xFFFFFFF0]  }
0xee: {  	v30 =	vmul.f32 v25, v25;
	v1 =	vadd.f32 v28, v1;
	v0 =	vadd.f32 v25, v0  }
0xef: {  	v31 =	vld [tilespmem:s16+$0x0]  }
0xf0: {  	v32 =	vmul.f32 v27, v27;
	v1 =	vadd.f32 v30, v1;
	v0 =	vadd.f32 v27, v0  }
0xf1: {  	v33 =	vld [tilespmem:s16+$0x10]  }
0xf2: {  	v34 =	vmul.f32 v29, v29;
	v1 =	vadd.f32 v32, v1;
	v0 =	vadd.f32 v29, v0  }
0xf3: {  	v35 =	vld [tilespmem:s16+$0x20]  }
0xf4: {  	v36 =	vmul.f32 v31, v31;
	v1 =	vadd.f32 v34, v1;
	v0 =	vadd.f32 v31, v0  }
0xf5: {  	v37 =	vld [tilespmem:s16+$0x30]  }
0xf6: {  	v38 =	vmul.f32 v33, v33;
	v1 =	vadd.f32 v36, v1;
	v0 =	vadd.f32 v33, v0  }
0xf7: {  	v39 =	vld [tilespmem:s16+$0x40]  }
0xf8: {  	v40 =	vmul.f32 v35, v35;
	v1 =	vadd.f32 v38, v1;
	v0 =	vadd.f32 v35, v0  }
0xf9: {  	v41 =	vld [tilespmem:s16+$0x50]  }
0xfa: {  	v42 =	vmul.f32 v37, v37;
	v1 =	vadd.f32 v40, v1;
	v0 =	vadd.f32 v37, v0  }
0xfb: {  	v43 =	vld [tilespmem:s16+$0x60]  }
0xfc: {  	v44 =	vmul.f32 v39, v39;
	v1 =	vadd.f32 v42, v1;
	v0 =	vadd.f32 v39, v0  }
0xfd: {  	v45 =	vld [tilespmem:s16+$0x70]  }
0xfe: {  	v46 =	vmul.f32 v41, v41;
	v1 =	vadd.f32 v44, v1;
	v0 =	vadd.f32 v41, v0  }
0xff: {  	v47 =	vld [tilespmem:s16+$0x80]  }
0x100: {  	v48 =	vmul.f32 v43, v43;
	v1 =	vadd.f32 v46, v1;
	v0 =	vadd.f32 v43, v0  }
0x101: {  	v49 =	vld [tilespmem:s16+$0x90]  }
0x102: {  	v50 =	vmul.f32 v45, v45;
	v1 =	vadd.f32 v48, v1;
	v0 =	vadd.f32 v45, v0  }
0x103: {  	v51 =	vld [tilespmem:s16+$0xA0]  }
0x104: {  	v52 =	vmul.f32 v47, v47;
	v1 =	vadd.f32 v50, v1;
	v0 =	vadd.f32 v47, v0  }
0x105: {  	v53 =	vld [tilespmem:s16+$0xB0]  }
0x106: {  	v54 =	vmul.f32 v49, v49;
	v1 =	vadd.f32 v52, v1;
	v0 =	vadd.f32 v49, v0  }
0x107: {  	v55 =	vld [tilespmem:s16+$0xC0]  }
0x108: {  	v56 =	vmul.f32 v51, v51;
	v1 =	vadd.f32 v54, v1;
	v0 =	vadd.f32 v51, v0;
	_ =	sdelay $0x1  }
0x109: {  	v57 =	vmul.f32 v53, v53;
	v1 =	vadd.f32 v56, v1;
	v0 =	vadd.f32 v53, v0;
	_ =	sdelay $0x1  }
0x10a: {  	v58 =	vmul.f32 v55, v55;
	v1 =	vadd.f32 v57, v1;
	v0 =	vadd.f32 v55, v0;
	_ =	sdelay $0x1  }
0x10b: {  	s14 =	sadd.s32 $0x1A, s14;
	v1 =	vadd.f32 v58, v1;
	v0 =	vmul.f32 v0, v0  }
0x10c: {  	v59 =	vld [tilespmem:s14+$0x0]  }
0x10d: {  	v60 =	vld [tilespmem:s14+$0xA];
	v0 =	vsub.f32 v0, v1;
	_ =	sdelay $0x1  }
0x10e: {  	v0 =	vmul.f32 $5.000000000e-01, v0;
	_ =	sdelay $0x1  }
0x10f: {  	v0 =	vadd.f32 v0, v59  }
0x110: {  	v61 =	vsel vm0, $0x0, v60  }
0x111: {  	v0 =	vadd.f32 v0, v61;
	_ =	sdelay $0x1  }
0x112: {  	(xrf2) =	vadd.scan.msk.f32 $0xffff, v0;
	_ =	sdelay $0x4  }
0x113: {  	s18 =	sadd.s32 s15, s12;
	s13 =	sadd.s32 $0x1, s13  }
0x114: {  	v62 =	vmov s18;
	p0 =	sne.s32 s13, $0x8  }
.Ltmp1:
0x115: {  	_ = 	snop;
	(pc) =	sbr.rel @p0 .LBB2_2-.Ltmp1, $3  }
0x116: {  	_ =	sdelay $0x1  }
0x117: {  	v63, _, _ =	vpop (xrf2)  }
0x118: {  	s12 =	sadd.s32 $0x40, s12;
	[tilespmem:v62+s9+$0x0] =	vst.idx.msk vm1, v63  }
0x119: {  	s12 =	simm.s32 $0x0;
	v0 =	vld [tilespmem:$0xA480];
	s13 =	simm.s32 $0x40;
	s15 =	rddreg [dreg:$0x7]  }
.LBB2_6:
0x11a: {  	p0 =	sne.s32 s13, $0x7C0;
	v1 =	vld [tilespmem:s12+$0xA280];
	_ =	sdelay $0x4  }
0x11b: {  	v0 =	vadd.f32 v0, v1;
	_ =	sdelay $0x1  }
0x11c: {  	v0 =	vsub.f32 $0.0e+00, v0;
	_ =	sdelay $0x1  }
0x11d: {  	v0 =	vmul.f32 $1.442695020e+00, v0;
	_ =	sdelay $0x1  }
0x11e: {  	(erf) = vpow2.f32 v0;
	_ =	sdelay $0x8  }
0x11f: {  	v0 =	vpop (erf)  }
0x120: {  	v0 =	vadd.f32 $1.000000000e+00, v0;
	_ =	sdelay $0x1  }
0x121: {  	(erf) = vrcp.f32 v0;
	_ =	sdelay $0x6  }
.Ltmp2:
0x122: {  	(pc) =	sbr.rel @p0 .LBB2_6-.Ltmp2, $4  }
0x123: {  	_ = 	snop  }
0x124: {  	v0 =	vpop (erf)  }
0x125: {  	[tilespmem:s12+$0xA280] =	vst v0  }
0x126: {  	s12 =	sshra.s32 s13, $0x2;
	s13 =	sadd.s32 $0x40, s13;
	v0 =	vld [tilespmem:$0xA480]  }
0x127: {  	v1 =	vld [tilespmem:s12+$0xA280];
	_ =	sdelay $0x4  }
0x128: {  	v0 =	vadd.f32 v0, v1;
	_ =	sdelay $0x1  }
0x129: {  	v0 =	vsub.f32 $0.0e+00, v0;
	_ =	sdelay $0x1  }
0x12a: {  	v0 =	vmul.f32 $1.442695020e+00, v0;
	_ =	sdelay $0x1  }
0x12b: {  	(erf) = vpow2.f32 v0;
	_ =	sdelay $0x8  }
0x12c: {  	v0 =	vpop (erf)  }
0x12d: {  	v0 =	vadd.f32 $1.000000000e+00, v0;
	_ =	sdelay $0x1  }
0x12e: {  	(erf) = vrcp.f32 v0;
	_ =	sdelay $0x8  }
0x12f: {  	v0 =	vpop (erf)  }
0x130: {  	s13 =	rddreg [dreg:$0x5];
	s14 =	simm.s32 $0x3;
	[tilespmem:s12+$0xA280] =	vst v0;
	s12 =	simm.s32 $0x0  }
0x131: {  	[hbm4b:s13+s12] =	stream.linear.scatter [tilespmem:s9], [sflag:$0x3], $0x200, $0x38;
	[tilespmem:$0xA490] =	vst v63  }
0x132: {  	_ =	swait.ge [sflag:s14], $0x200  }
0x133: {  	s15 =	sadd.s32 $0x1, s15;
	s18 =	rddreg [dreg:$0x6]  }
0x134: {  	p0 =	sne.s32 s15, s18  }
.Ltmp3:
0x135: {  	_ = 	snop;
	(pc) =	sbr.rel @p0 .LBB2_1-.Ltmp3, $3  }
0x136: {  	_ =	sdelay $0x1  }
0x137: {  	[sflag:s14] =	ssyncset.done $0x0  }
0x138: {  	[sflag:s14] =	ssyncadd.s32 $0xFFFFFE00  }
0x139: {  	_ =	sfence.sel $0x180000  }
0x13a: {  	[bflag:$0x0] =	sbarrier.arrive $0xFFFF  }
0x13b: {  	_ =	strace $0x9000004A  }
0x13c: {  	s0 =	stileid.u32;
	[bflag:$0x2] =	sbarrier.arrive $0xFFFF  }
0x13d: {  	p0 =	sne.s32 s0, $0x0;
	s0 =	rddreg [dreg:$0x2]  }
0x13e: {  	s0 =	sadd.s32 @!p0 $0x100000, s0  }
0x13f: {  	[sflag:s0] =	ssyncadd.tile.s32 @!p0 $0x1;
	_ =	shalt  }
.Lfunc_end2:
_tile_overlayer_lowered:
.L_overlay_start_2:
0x140: {  	(tag) =	ssettag $0x2  }
0x141: {  	s0 =	rddreg [dreg:$0x0];
	s2 =	stileid.u32  }
0x142: {  	s1 =	rddreg [dreg:$0x1];
	p0 =	sne.s32 s2, $0x0  }
0x143: {  	s3 =	rddreg [dreg:$0x2];
	[bflag:$0x3] =	sbarrier.arrive $0xFFFF;
	s2 =	simm.s32 @!p0 $0x1C03  }
0x144: {  	[timem:s3], [sflag:s2] =	dma.local @!p0 [hbm:s0], s1  }
0x145: {  	s0 =	simm.s32 @!p0 $0x3  }
0x146: {  	_ =	swait.ge @!p0 [sflag:s0], s1  }
0x147: {  	s1 =	ssub.s32 @!p0 $0x0, s1;
	[sflag:s0] =	ssyncset.done @!p0 $0x0  }
0x148: {  	[sflag:s0] =	ssyncadd.s32 @!p0 s1  }
0x149: {  	[bflag:$0x3] =	sbarrier.arrive $0xFFFF  }
0x14a: {  	_ =	shalt  }

</sc_bundles>
